<compile_context>
chip_gen: v7x
topology: tpu7x:2x2x1
jax: 0.10.2.dev20260603
libtpu: 0.0.44.dev20260713+nightly
codegen_flags: <defaults>
</compile_context>

<pallas_src>
import functools

import jax
import jax.numpy as jnp
from jax import lax
from jax.experimental import pallas as pl
from jax.experimental.pallas import tpu as pltpu
from jax.experimental.pallas import tpu_sc as plsc

N = 20000
K = 2000
NUM_GT = 64
NP = 20480
KP = 2048
BLK = 128
NBLK = KP // BLK
NMS_THR = 0.7
MATCH_IOU = 0.5

_NS = 16


def _match_body(gt_ref, x1_ref, y1_ref, x2_ref, y2_ref, s_ref,
                iou_ref, idx_ref, pos_ref):
    x1 = x1_ref[...]
    y1 = y1_ref[...]
    x2 = x2_ref[...]
    y2 = y2_ref[...]
    area_a = (x2 - x1) * (y2 - y1)

    def body(g, carry):
        best, bidx = carry
        gx1 = gt_ref[g, 0]
        gy1 = gt_ref[g, 1]
        gx2 = gt_ref[g, 2]
        gy2 = gt_ref[g, 3]
        area_b = (gx2 - gx1) * (gy2 - gy1)
        w = jnp.maximum(jnp.minimum(x2, gx2) - jnp.maximum(x1, gx1), 0.0)
        h = jnp.maximum(jnp.minimum(y2, gy2) - jnp.maximum(y1, gy1), 0.0)
        inter = w * h
        union = jnp.maximum(area_a + area_b - inter, 1e-9)
        iou = inter / union
        pred = iou > best
        best = jnp.where(pred, iou, best)
        bidx = jnp.where(pred, g, bidx)
        return best, bidx

    init = (jnp.full(x1.shape, -1.0, jnp.float32),
            jnp.zeros(x1.shape, jnp.int32))
    best, bidx = lax.fori_loop(0, NUM_GT, body, init)
    iou_ref[...] = best
    idx_ref[...] = bidx

    bits = lax.bitcast_convert_type(s_ref[...], jnp.int32)
    gidx = (lax.broadcasted_iota(jnp.int32, bits.shape, 0) * 128
            + lax.broadcasted_iota(jnp.int32, bits.shape, 1))
    valid = gidx < N

    def tbody(i, t):
        cand = t | (1 << (29 - i))
        cnt = jnp.sum(((bits >= cand) & valid).astype(jnp.int32))
        return jnp.where(cnt >= K, cand, t)

    t_cut = lax.fori_loop(0, 30, tbody, jnp.int32(0))
    c_gt = jnp.sum(((bits > t_cut) & valid).astype(jnp.int32))
    need = K - c_gt
    ties = (bits == t_cut) & valid

    def ibody(i, acc):
        cand = acc | (1 << (14 - i))
        cnt = jnp.sum((ties & (gidx < cand)).astype(jnp.int32))
        return jnp.where(cnt < need, cand, acc)

    i_cut = lax.fori_loop(0, 15, ibody, jnp.int32(0)) + 1

    sel = (bits > t_cut) | ((bits == t_cut) & (gidx < i_cut))
    self_ = sel.astype(jnp.float32)
    ck = lax.broadcasted_iota(jnp.int32, (128, 128), 0)
    cc = lax.broadcasted_iota(jnp.int32, (128, 128), 1)
    upper_incl = (ck <= cc).astype(jnp.float32)
    incl_row = lax.dot_general(self_, upper_incl, (((1,), (0,)), ((), ())),
                               preferred_element_type=jnp.float32)
    ones_col = jnp.ones((128, 1), jnp.float32)
    rs = lax.dot_general(self_, ones_col, (((1,), (0,)), ((), ())),
                         preferred_element_type=jnp.float32)
    R = self_.shape[0]
    rk = lax.broadcasted_iota(jnp.int32, (R, R), 0)
    rc = lax.broadcasted_iota(jnp.int32, (R, R), 1)
    lower_strict = (rk > rc).astype(jnp.float32)
    offs = lax.dot_general(lower_strict, rs, (((1,), (0,)), ((), ())),
                           preferred_element_type=jnp.float32)
    excl = offs + incl_row - self_
    trash = KP + (gidx & (KP - 1))
    pos_ref[...] = jnp.where(sel, excl.astype(jnp.int32), trash)


def _run_match(gt, bx1, by1, bx2, by2, s2d):
    R = NP // 128
    vspec = pl.BlockSpec((R, 128), lambda: (0, 0))
    return pl.pallas_call(
        _match_body,
        grid=(),
        in_specs=[
            pl.BlockSpec(memory_space=pltpu.SMEM),
            vspec, vspec, vspec, vspec, vspec,
        ],
        out_specs=[vspec, vspec, vspec],
        out_shape=[
            jax.ShapeDtypeStruct((R, 128), jnp.float32),
            jax.ShapeDtypeStruct((R, 128), jnp.int32),
            jax.ShapeDtypeStruct((R, 128), jnp.int32),
        ],
    )(gt, bx1, by1, bx2, by2, s2d)


def _sc_mesh():
    return plsc.VectorSubcoreMesh(core_axis_name="c", subcore_axis_name="s",
                                  num_cores=1, num_subcores=_NS)


def _invert_body(pos_ref, cidx_ref):
    ri = lax.broadcasted_iota(jnp.int32, (BLK, BLK), 0)
    ci = lax.broadcasted_iota(jnp.int32, (BLK, BLK), 1)
    ident = (ri == ci).astype(jnp.bfloat16)
    slot_col = lax.broadcasted_iota(jnp.int32, (BLK, 1), 0)
    gidx = lax.broadcasted_iota(jnp.int32, (NP, 1), 0)
    rvec = (gidx // BLK).astype(jnp.bfloat16)
    cvec = (gidx % BLK).astype(jnp.bfloat16)
    pos_row = pos_ref[...]

    def body(oc, _):
        slots = slot_col + oc * BLK
        onehot = (pos_row == slots).astype(jnp.bfloat16)
        rc_col = lax.dot_general(onehot, jnp.concatenate([rvec, cvec], 1),
                                 (((1,), (0,)), ((), ())),
                                 preferred_element_type=jnp.float32)
        rows = lax.dot_general(rc_col.astype(jnp.bfloat16), ident,
                               (((0,), (0,)), ((), ())),
                               preferred_element_type=jnp.float32)
        srow = lax.broadcasted_iota(jnp.int32, (1, BLK), 1) + oc * BLK
        lane16 = lax.broadcasted_iota(jnp.int32, (1, BLK), 1) % 16
        inv = (rows[0:1, :] * float(BLK) + rows[1:2, :]).astype(jnp.int32)
        cidx_ref[0:1, pl.ds(oc * BLK, BLK)] = jnp.where(
            srow >= K, NP - 16 + lane16, inv)
        return 0

    lax.fori_loop(0, NBLK, body, 0)


def _run_invert(pos_row):
    return pl.pallas_call(
        _invert_body,
        grid=(),
        in_specs=[pl.BlockSpec((1, NP), lambda: (0, 0))],
        out_specs=pl.BlockSpec((1, KP), lambda: (0, 0)),
        out_shape=jax.ShapeDtypeStruct((1, KP), jnp.int32),
    )(pos_row)


def _sc_gather_planes(cidx, scores_p, px1, py1, px2, py2):
    fplane = jax.ShapeDtypeStruct((KP,), jnp.float32)

    @functools.partial(
        pl.kernel,
        out_type=(fplane, fplane, fplane, fplane, fplane),
        mesh=_sc_mesh(),
        scratch_types=[
            pltpu.VMEM((128,), jnp.int32),
            [pltpu.VMEM((128,), jnp.float32)] * 5,
            pltpu.SemaphoreType.DMA,
        ],
    )
    def k(cidx_hbm, s_hbm, x1_hbm, y1_hbm, x2_hbm, y2_hbm,
          so_out, x1o_out, y1o_out, x2o_out, y2o_out,
          myidx, gbufs, sem):
        tid = lax.axis_index("s")
        out_b = tid * 128
        pltpu.sync_copy(cidx_hbm.at[pl.ds(out_b, 128)], myidx)
        planes = (s_hbm, x1_hbm, y1_hbm, x2_hbm, y2_hbm)
        outs = (so_out, x1o_out, y1o_out, x2o_out, y2o_out)
        descs = [pltpu.async_copy(p.at[myidx], g, sem)
                 for p, g in zip(planes, gbufs)]
        for d in descs:
            d.wait()
        for g, o in zip(gbufs, outs):
            pltpu.sync_copy(g, o.at[pl.ds(out_b, 128)])

    return k(cidx, scores_p, px1, py1, px2, py2)


def _sc_compact_gather(scores_p, px1, py1, px2, py2, pos_p):
    cidx = _run_invert(pos_p.reshape(1, NP)).reshape(KP)
    s_sel, x1s, y1s, x2s, y2s = _sc_gather_planes(
        cidx, scores_p, px1, py1, px2, py2)
    return cidx, s_sel, x1s, y1s, x2s, y2s


def _rank_body(s_ref, i_ref, sc_ref, ic_ref, v_ref, out_ref, rank_ref):
    ri = lax.broadcasted_iota(jnp.int32, (BLK, BLK), 0)
    ci = lax.broadcasted_iota(jnp.int32, (BLK, BLK), 1)
    ident = (ri == ci).astype(jnp.float32)

    def trow(v_col):
        return lax.dot_general(v_col, ident, (((0,), (0,)), ((), ())),
                               precision=lax.Precision.HIGHEST,
                               preferred_element_type=jnp.float32)

    srow = s_ref[...]
    irow = i_ref[...].astype(jnp.float32)

    def rbody(rc, _):
        sl = pl.ds(rc * BLK, BLK)
        si = sc_ref[sl, 0:1]
        ii = ic_ref[sl, 0:1].astype(jnp.float32)
        higher = (srow > si) | ((srow == si) & (irow < ii))
        rank_c = jnp.sum(higher.astype(jnp.float32), axis=1, keepdims=True)
        rank_ref[0:1, sl] = trow(rank_c)
        return 0

    lax.fori_loop(0, NBLK, rbody, 0)
    rank = rank_ref[...]
    rowpos = lax.broadcasted_iota(jnp.int32, (BLK, 1), 0).astype(jnp.float32)

    def pbody(rc, _):
        onehot = (rank == (rowpos + rc * BLK)).astype(jnp.float32)
        out_ref[pl.ds(rc * BLK, BLK), :] = lax.dot_general(
            onehot, v_ref[...], (((1,), (0,)), ((), ())),
            precision=lax.Precision.HIGHEST,
            preferred_element_type=jnp.float32)
        return 0

    lax.fori_loop(0, NBLK, pbody, 0)


def _run_rank(svec, ivec, scol, icol, vmat):
    return pl.pallas_call(
        _rank_body,
        grid=(),
        in_specs=[
            pl.BlockSpec((1, KP), lambda: (0, 0)),
            pl.BlockSpec((1, KP), lambda: (0, 0)),
            pl.BlockSpec((KP, 1), lambda: (0, 0)),
            pl.BlockSpec((KP, 1), lambda: (0, 0)),
            pl.BlockSpec((KP, 8), lambda: (0, 0)),
        ],
        out_specs=pl.BlockSpec((KP, 8), lambda: (0, 0)),
        out_shape=jax.ShapeDtypeStruct((KP, 8), jnp.float32),
        scratch_shapes=[pltpu.VMEM((1, KP), jnp.float32)],
    )(svec, ivec, scol, icol, vmat)


def _nms_body(x1_ref, y1_ref, x2_ref, y2_ref,
              x1c_ref, y1c_ref, x2c_ref, y2c_ref, keep_ref):
    b = pl.program_id(0)

    @pl.when(b == 0)
    def _():
        keep_ref[...] = jnp.zeros((1, KP), jnp.float32)

    ri = lax.broadcasted_iota(jnp.int32, (BLK, BLK), 0)
    ci = lax.broadcasted_iota(jnp.int32, (BLK, BLK), 1)
    ident = (ri == ci).astype(jnp.float32)
    tri_lt = (ri < ci).astype(jnp.float32)
    tri_gt = (ri > ci).astype(jnp.float32)

    def trow(v_col):
        return lax.dot_general(v_col, ident, (((0,), (0,)), ((), ())),
                               precision=lax.Precision.HIGHEST,
                               preferred_element_type=jnp.float32)

    s = pl.ds(b * BLK, BLK)
    rx1 = x1_ref[0:1, s]
    ry1 = y1_ref[0:1, s]
    rx2 = x2_ref[0:1, s]
    ry2 = y2_ref[0:1, s]
    cx1 = x1c_ref[s, 0:1]
    cy1 = y1c_ref[s, 0:1]
    cx2 = x2c_ref[s, 0:1]
    cy2 = y2c_ref[s, 0:1]
    area_blk_c = (cx2 - cx1) * (cy2 - cy1)
    area_blk_r = (rx2 - rx1) * (ry2 - ry1)

    ax1 = x1_ref[...]
    ay1 = y1_ref[...]
    ax2 = x2_ref[...]
    ay2 = y2_ref[...]
    area_all = (ax2 - ax1) * (ay2 - ay1)

    def over(u1, v1, u2, v2, w1, z1, w2, z2, area_u, area_w):
        w = jnp.maximum(jnp.minimum(u2, w2) - jnp.maximum(u1, w1), 0.0)
        h = jnp.maximum(jnp.minimum(v2, z2) - jnp.maximum(v1, z1), 0.0)
        inter = w * h
        union = jnp.maximum(area_u + area_w - inter, 1e-9)
        return inter > NMS_THR * union

    s_all = over(cx1, cy1, cx2, cy2, ax1, ay1, ax2, ay2,
                 area_blk_c, area_all)
    colidx = lax.broadcasted_iota(jnp.int32, (1, KP), 1)
    prev = (colidx < b * BLK) & (keep_ref[...] > 0.5)
    sup = jnp.any(s_all & prev, axis=1, keepdims=True)
    sf_col = jnp.where(sup, 0.0, 1.0)
    sf_row = trow(sf_col)

    s_loc = over(cx1, cy1, cx2, cy2, rx1, ry1, rx2, ry2,
                 area_blk_c, area_blk_r).astype(jnp.float32)
    sa = s_loc * sf_col * tri_lt
    sb = s_loc * sf_row * tri_gt

    def cond(carry):
        t, changed, _, _ = carry
        return changed & (t < 66)

    def body(carry):
        t, _, g_col, _ = carry
        g_row2 = 1.0 - jnp.max(sa * g_col, axis=0, keepdims=True)
        g_col2 = 1.0 - jnp.max(sb * g_row2, axis=1, keepdims=True)
        changed = jnp.any(g_col2 != g_col)
        return t + 1, changed, g_col2, g_row2

    init = (jnp.int32(0), True,
            jnp.ones((BLK, 1), jnp.float32), jnp.ones((1, BLK), jnp.float32))
    _, _, _, g_row = lax.while_loop(cond, body, init)
    keep_ref[0:1, s] = sf_row * g_row


def _run_nms(x1, y1, x2, y2):
    vspec = pl.BlockSpec((1, KP), lambda b: (0, 0))
    cspec = pl.BlockSpec((KP, 1), lambda b: (0, 0))
    return pl.pallas_call(
        _nms_body,
        grid=(NBLK,),
        in_specs=[vspec, vspec, vspec, vspec, cspec, cspec, cspec, cspec],
        out_specs=vspec,
        out_shape=jax.ShapeDtypeStruct((1, KP), jnp.float32),
    )(x1, y1, x2, y2,
      x1.reshape(KP, 1), y1.reshape(KP, 1),
      x2.reshape(KP, 1), y2.reshape(KP, 1))


def kernel(boxes, scores, gt_bboxes):
    R = NP // 128
    scores_p = jnp.pad(scores, (0, NP - N))
    bp = jnp.pad(boxes, ((0, NP - N), (0, 0)))
    px1, py1, px2, py2 = bp[:, 0], bp[:, 1], bp[:, 2], bp[:, 3]

    best_p, idx_p, pos_p = _run_match(
        gt_bboxes,
        px1.reshape(R, 128), py1.reshape(R, 128),
        px2.reshape(R, 128), py2.reshape(R, 128),
        scores_p.reshape(R, 128))
    best_iou = best_p.reshape(NP)[:N]
    best_gt_index = idx_p.reshape(NP)[:N]
    is_foreground = best_iou > MATCH_IOU

    cidx, s_sel, x1s, y1s, x2s, y2s = _sc_compact_gather(
        scores_p, px1, py1, px2, py2, pos_p.reshape(NP))

    vmat = jnp.stack(
        [s_sel, x1s, y1s, x2s, y2s,
         jnp.zeros(KP, jnp.float32), jnp.zeros(KP, jnp.float32),
         jnp.zeros(KP, jnp.float32)], axis=1)
    srt = _run_rank(s_sel.reshape(1, KP), cidx.reshape(1, KP),
                    s_sel.reshape(KP, 1),
                    cidx.astype(jnp.float32).reshape(KP, 1), vmat)

    keep = _run_nms(srt[:, 1].reshape(1, KP), srt[:, 2].reshape(1, KP),
                    srt[:, 3].reshape(1, KP), srt[:, 4].reshape(1, KP))
    keepf = keep.reshape(KP)[:K]
    top_scores = srt[:K, 0]
    picked_boxes = srt[:K, 1:5] * keepf[:, None]
    picked_scores = top_scores * keepf

    return picked_boxes, picked_scores, best_iou, best_gt_index, is_foreground

# --- scband reference (transcript-rebuilt; emitter-appended) ---
"""Pipeline reference for scband-faster-rcnn-61649960567167 (READ-ONLY COPY).

The authoritative reference and input builder live on the scoring server;
editing this copy changes nothing except your own understanding.
"""

import jax, jax.numpy as jnp
import numpy as np

IMAGE_SIZE = 800.0
NMS_THRESHOLD = 0.7
MATCH_IOU = 0.5
N = 20000
K = 2000
NUM_GT = 64


def box_iou(a, b):
    area_a = (a[:, 2] - a[:, 0]) * (a[:, 3] - a[:, 1])
    area_b = (b[:, 2] - b[:, 0]) * (b[:, 3] - b[:, 1])
    lt = jnp.maximum(a[:, None, :2], b[None, :, :2])
    rb = jnp.minimum(a[:, None, 2:], b[None, :, 2:])
    wh = jnp.clip(rb - lt, 0.0)
    inter = wh[..., 0] * wh[..., 1]
    union = area_a[:, None] + area_b[None, :] - inter
    return inter / jnp.maximum(union, 1e-9)


def _make_boxes(key, n):
    k1, k2 = jax.random.split(key)
    cxy = jax.random.uniform(k1, (n, 2), minval=0.0, maxval=IMAGE_SIZE)
    wh = jax.random.uniform(k2, (n, 2), minval=8.0, maxval=200.0)
    x1y1 = jnp.clip(cxy - wh / 2.0, 0.0, IMAGE_SIZE)
    x2y2 = jnp.clip(cxy + wh / 2.0, 0.0, IMAGE_SIZE)
    return jnp.concatenate([x1y1, jnp.maximum(x2y2, x1y1 + 1.0)], axis=1)


def setup_inputs(seed: int = 0) -> dict:
    key = jax.random.key(seed)
    k1, k2, k3 = jax.random.split(key, 3)
    boxes = _make_boxes(k1, N)
    scores = jax.random.uniform(k2, (N,))
    gt_bboxes = _make_boxes(k3, NUM_GT)
    return {"boxes": boxes, "scores": scores, "gt_bboxes": gt_bboxes}


def reference(boxes, scores, gt_bboxes):
    # match_based_on_iou: IoU of every proposal against every padded GT box
    ious = box_iou(boxes, gt_bboxes)
    best_iou = jnp.max(ious, axis=1)
    best_gt_index = jnp.argmax(ious, axis=1)
    is_foreground = best_iou > MATCH_IOU

    # NMS over top-K candidates by objectness score (greedy suppression)
    top_scores, order = jax.lax.top_k(scores, K)
    cand = jnp.take(boxes, order, axis=0)
    iou_cc = box_iou(cand, cand)
    idx = jnp.arange(K)

    def body(i, keep):
        suppressed = jnp.any((iou_cc[:, i] > NMS_THRESHOLD) & keep & (idx < i))
        return keep.at[i].set(~suppressed)

    keep = jax.lax.fori_loop(0, K, body, jnp.zeros((K,), dtype=bool))
    keepf = keep.astype(cand.dtype)
    picked_boxes = cand * keepf[:, None]
    picked_scores = top_scores * keepf
    return (picked_boxes, picked_scores, best_iou, best_gt_index, is_foreground)

if __name__ == "__main__":
    import jax
    _d = setup_inputs()
    print(jax.jit(kernel)(*tuple(_d.values())))

</pallas_src>

<mosaic_0001>
#map = affine_map<(d0, d1) -> (0)>
module attributes {stable_mosaic.version = 14 : i64} {
  func.func @k(%arg0: i32, %arg1: i32, %arg2: memref<2048xi32, #tpu.memory_space<hbm>>, %arg3: memref<20480xf32, #tpu.memory_space<hbm>>, %arg4: memref<20480xf32, #tpu.memory_space<hbm>>, %arg5: memref<20480xf32, #tpu.memory_space<hbm>>, %arg6: memref<20480xf32, #tpu.memory_space<hbm>>, %arg7: memref<20480xf32, #tpu.memory_space<hbm>>, %arg8: memref<2048xf32, #tpu.memory_space<hbm>>, %arg9: memref<2048xf32, #tpu.memory_space<hbm>>, %arg10: memref<2048xf32, #tpu.memory_space<hbm>>, %arg11: memref<2048xf32, #tpu.memory_space<hbm>>, %arg12: memref<2048xf32, #tpu.memory_space<hbm>>, %arg13: memref<128xi32, #tpu.memory_space<vmem>>, %arg14: memref<128xf32, #tpu.memory_space<vmem>>, %arg15: memref<128xf32, #tpu.memory_space<vmem>>, %arg16: memref<128xf32, #tpu.memory_space<vmem>>, %arg17: memref<128xf32, #tpu.memory_space<vmem>>, %arg18: memref<128xf32, #tpu.memory_space<vmem>>, %arg19: memref<!tpu.dma_semaphore, #tpu.memory_space<semaphore_mem>>) attributes {dimension_semantics = [#tpu.dimension_semantics<core_parallel>, #tpu.dimension_semantics<subcore_parallel>], iteration_bounds = array<i64: 1, 16>, scalar_prefetch = 0 : i64, scratch_operands = 7 : i64, tpu.core_type = #tpu.core_type<sc_vector_subcore>, window_params = [{transform_indices = #map}, {transform_indices = #map}, {transform_indices = #map}, {transform_indices = #map}, {transform_indices = #map}, {transform_indices = #map}, {transform_indices = #map}, {transform_indices = #map}, {transform_indices = #map}, {transform_indices = #map}, {transform_indices = #map}]} {
    %mul3A = arith.constant 128 : i32
    %mul3A_0 = arith.muli %arg1, %mul3A : i32
    "tpu.region"() ({
      %run_scoped3A = tpu.sem_alloc : memref<!tpu.dma_semaphore, #tpu.memory_space<semaphore_mem>>
      %dma_start3A_19 = tpu.memref_slice %arg2[%mul3A_0] : memref<2048xi32, #tpu.memory_space<hbm>> -> memref<128xi32, #tpu.memory_space<hbm>>
      %dma_start3A_20 = tpu.memref_slice %arg2[%mul3A_0] : memref<2048xi32, #tpu.memory_space<hbm>> -> memref<128xi32, #tpu.memory_space<hbm>>
      tpu.enqueue_dma source(%dma_start3A_20 : memref<128xi32, #tpu.memory_space<hbm>>) target(%arg13 : memref<128xi32, #tpu.memory_space<vmem>>) target_semaphore(%run_scoped3A : memref<!tpu.dma_semaphore, #tpu.memory_space<semaphore_mem>>)
      %dma_wait3A_21 = tpu.memref_slice %arg2[%mul3A_0] : memref<2048xi32, #tpu.memory_space<hbm>> -> memref<128xi32, #tpu.memory_space<hbm>>
      %dma_wait3A_22 = tpu.memref_slice %arg2[%mul3A_0] : memref<2048xi32, #tpu.memory_space<hbm>> -> memref<128xi32, #tpu.memory_space<hbm>>
      tpu.wait_dma2 semaphore(%run_scoped3A : memref<!tpu.dma_semaphore, #tpu.memory_space<semaphore_mem>>) src(%dma_wait3A_22 : memref<128xi32, #tpu.memory_space<hbm>>) dst(%arg13 : memref<128xi32, #tpu.memory_space<vmem>>)
      tpu.yield
    }) : () -> ()
    %dma_start3A = arith.constant 0 : i32
    %dma_start3A_1 = tpu.memref_slice %arg3[%dma_start3A] : memref<20480xf32, #tpu.memory_space<hbm>> -> memref<20480xf32, #tpu.memory_space<hbm>>
    tpu.enqueue_indirect_dma source(%dma_start3A_1 : memref<20480xf32, #tpu.memory_space<hbm>>) target(%arg14 : memref<128xf32, #tpu.memory_space<vmem>>) offsets(%arg13 : memref<128xi32, #tpu.memory_space<vmem>>) semaphore(%arg19 : memref<!tpu.dma_semaphore, #tpu.memory_space<semaphore_mem>>)
    %dma_start3A_2 = arith.constant 0 : i32
    %dma_start3A_3 = tpu.memref_slice %arg4[%dma_start3A_2] : memref<20480xf32, #tpu.memory_space<hbm>> -> memref<20480xf32, #tpu.memory_space<hbm>>
    tpu.enqueue_indirect_dma source(%dma_start3A_3 : memref<20480xf32, #tpu.memory_space<hbm>>) target(%arg15 : memref<128xf32, #tpu.memory_space<vmem>>) offsets(%arg13 : memref<128xi32, #tpu.memory_space<vmem>>) semaphore(%arg19 : memref<!tpu.dma_semaphore, #tpu.memory_space<semaphore_mem>>)
    %dma_start3A_4 = arith.constant 0 : i32
    %dma_start3A_5 = tpu.memref_slice %arg5[%dma_start3A_4] : memref<20480xf32, #tpu.memory_space<hbm>> -> memref<20480xf32, #tpu.memory_space<hbm>>
    tpu.enqueue_indirect_dma source(%dma_start3A_5 : memref<20480xf32, #tpu.memory_space<hbm>>) target(%arg16 : memref<128xf32, #tpu.memory_space<vmem>>) offsets(%arg13 : memref<128xi32, #tpu.memory_space<vmem>>) semaphore(%arg19 : memref<!tpu.dma_semaphore, #tpu.memory_space<semaphore_mem>>)
    %dma_start3A_6 = arith.constant 0 : i32
    %dma_start3A_7 = tpu.memref_slice %arg6[%dma_start3A_6] : memref<20480xf32, #tpu.memory_space<hbm>> -> memref<20480xf32, #tpu.memory_space<hbm>>
    tpu.enqueue_indirect_dma source(%dma_start3A_7 : memref<20480xf32, #tpu.memory_space<hbm>>) target(%arg17 : memref<128xf32, #tpu.memory_space<vmem>>) offsets(%arg13 : memref<128xi32, #tpu.memory_space<vmem>>) semaphore(%arg19 : memref<!tpu.dma_semaphore, #tpu.memory_space<semaphore_mem>>)
    %dma_start3A_8 = arith.constant 0 : i32
    %dma_start3A_9 = tpu.memref_slice %arg7[%dma_start3A_8] : memref<20480xf32, #tpu.memory_space<hbm>> -> memref<20480xf32, #tpu.memory_space<hbm>>
    tpu.enqueue_indirect_dma source(%dma_start3A_9 : memref<20480xf32, #tpu.memory_space<hbm>>) target(%arg18 : memref<128xf32, #tpu.memory_space<vmem>>) offsets(%arg13 : memref<128xi32, #tpu.memory_space<vmem>>) semaphore(%arg19 : memref<!tpu.dma_semaphore, #tpu.memory_space<semaphore_mem>>)
    %dma_wait3A = arith.constant 0 : i32
    %dma_wait3A_10 = tpu.memref_slice %arg3[%dma_wait3A] : memref<20480xf32, #tpu.memory_space<hbm>> -> memref<20480xf32, #tpu.memory_space<hbm>>
    tpu.wait_indirect_dma semaphore(%arg19 : memref<!tpu.dma_semaphore, #tpu.memory_space<semaphore_mem>>) src(%dma_wait3A_10 : memref<20480xf32, #tpu.memory_space<hbm>>) dst(%arg14 : memref<128xf32, #tpu.memory_space<vmem>>)
    %dma_wait3A_11 = arith.constant 0 : i32
    %dma_wait3A_12 = tpu.memref_slice %arg4[%dma_wait3A_11] : memref<20480xf32, #tpu.memory_space<hbm>> -> memref<20480xf32, #tpu.memory_space<hbm>>
    tpu.wait_indirect_dma semaphore(%arg19 : memref<!tpu.dma_semaphore, #tpu.memory_space<semaphore_mem>>) src(%dma_wait3A_12 : memref<20480xf32, #tpu.memory_space<hbm>>) dst(%arg15 : memref<128xf32, #tpu.memory_space<vmem>>)
    %dma_wait3A_13 = arith.constant 0 : i32
    %dma_wait3A_14 = tpu.memref_slice %arg5[%dma_wait3A_13] : memref<20480xf32, #tpu.memory_space<hbm>> -> memref<20480xf32, #tpu.memory_space<hbm>>
    tpu.wait_indirect_dma semaphore(%arg19 : memref<!tpu.dma_semaphore, #tpu.memory_space<semaphore_mem>>) src(%dma_wait3A_14 : memref<20480xf32, #tpu.memory_space<hbm>>) dst(%arg16 : memref<128xf32, #tpu.memory_space<vmem>>)
    %dma_wait3A_15 = arith.constant 0 : i32
    %dma_wait3A_16 = tpu.memref_slice %arg6[%dma_wait3A_15] : memref<20480xf32, #tpu.memory_space<hbm>> -> memref<20480xf32, #tpu.memory_space<hbm>>
    tpu.wait_indirect_dma semaphore(%arg19 : memref<!tpu.dma_semaphore, #tpu.memory_space<semaphore_mem>>) src(%dma_wait3A_16 : memref<20480xf32, #tpu.memory_space<hbm>>) dst(%arg17 : memref<128xf32, #tpu.memory_space<vmem>>)
    %dma_wait3A_17 = arith.constant 0 : i32
    %dma_wait3A_18 = tpu.memref_slice %arg7[%dma_wait3A_17] : memref<20480xf32, #tpu.memory_space<hbm>> -> memref<20480xf32, #tpu.memory_space<hbm>>
    tpu.wait_indirect_dma semaphore(%arg19 : memref<!tpu.dma_semaphore, #tpu.memory_space<semaphore_mem>>) src(%dma_wait3A_18 : memref<20480xf32, #tpu.memory_space<hbm>>) dst(%arg18 : memref<128xf32, #tpu.memory_space<vmem>>)
    "tpu.region"() ({
      %run_scoped3A = tpu.sem_alloc : memref<!tpu.dma_semaphore, #tpu.memory_space<semaphore_mem>>
      %dma_start3A_19 = tpu.memref_slice %arg8[%mul3A_0] : memref<2048xf32, #tpu.memory_space<hbm>> -> memref<128xf32, #tpu.memory_space<hbm>>
      %dma_start3A_20 = tpu.memref_slice %arg8[%mul3A_0] : memref<2048xf32, #tpu.memory_space<hbm>> -> memref<128xf32, #tpu.memory_space<hbm>>
      tpu.enqueue_dma source(%arg14 : memref<128xf32, #tpu.memory_space<vmem>>) target(%dma_start3A_20 : memref<128xf32, #tpu.memory_space<hbm>>) target_semaphore(%run_scoped3A : memref<!tpu.dma_semaphore, #tpu.memory_space<semaphore_mem>>)
      %dma_wait3A_21 = tpu.memref_slice %arg8[%mul3A_0] : memref<2048xf32, #tpu.memory_space<hbm>> -> memref<128xf32, #tpu.memory_space<hbm>>
      %dma_wait3A_22 = tpu.memref_slice %arg8[%mul3A_0] : memref<2048xf32, #tpu.memory_space<hbm>> -> memref<128xf32, #tpu.memory_space<hbm>>
      tpu.wait_dma2 semaphore(%run_scoped3A : memref<!tpu.dma_semaphore, #tpu.memory_space<semaphore_mem>>) src(%arg14 : memref<128xf32, #tpu.memory_space<vmem>>) dst(%dma_wait3A_22 : memref<128xf32, #tpu.memory_space<hbm>>)
      tpu.yield
    }) : () -> ()
    "tpu.region"() ({
      %run_scoped3A = tpu.sem_alloc : memref<!tpu.dma_semaphore, #tpu.memory_space<semaphore_mem>>
      %dma_start3A_19 = tpu.memref_slice %arg9[%mul3A_0] : memref<2048xf32, #tpu.memory_space<hbm>> -> memref<128xf32, #tpu.memory_space<hbm>>
      %dma_start3A_20 = tpu.memref_slice %arg9[%mul3A_0] : memref<2048xf32, #tpu.memory_space<hbm>> -> memref<128xf32, #tpu.memory_space<hbm>>
      tpu.enqueue_dma source(%arg15 : memref<128xf32, #tpu.memory_space<vmem>>) target(%dma_start3A_20 : memref<128xf32, #tpu.memory_space<hbm>>) target_semaphore(%run_scoped3A : memref<!tpu.dma_semaphore, #tpu.memory_space<semaphore_mem>>)
      %dma_wait3A_21 = tpu.memref_slice %arg9[%mul3A_0] : memref<2048xf32, #tpu.memory_space<hbm>> -> memref<128xf32, #tpu.memory_space<hbm>>
      %dma_wait3A_22 = tpu.memref_slice %arg9[%mul3A_0] : memref<2048xf32, #tpu.memory_space<hbm>> -> memref<128xf32, #tpu.memory_space<hbm>>
      tpu.wait_dma2 semaphore(%run_scoped3A : memref<!tpu.dma_semaphore, #tpu.memory_space<semaphore_mem>>) src(%arg15 : memref<128xf32, #tpu.memory_space<vmem>>) dst(%dma_wait3A_22 : memref<128xf32, #tpu.memory_space<hbm>>)
      tpu.yield
    }) : () -> ()
    "tpu.region"() ({
      %run_scoped3A = tpu.sem_alloc : memref<!tpu.dma_semaphore, #tpu.memory_space<semaphore_mem>>
      %dma_start3A_19 = tpu.memref_slice %arg10[%mul3A_0] : memref<2048xf32, #tpu.memory_space<hbm>> -> memref<128xf32, #tpu.memory_space<hbm>>
      %dma_start3A_20 = tpu.memref_slice %arg10[%mul3A_0] : memref<2048xf32, #tpu.memory_space<hbm>> -> memref<128xf32, #tpu.memory_space<hbm>>
      tpu.enqueue_dma source(%arg16 : memref<128xf32, #tpu.memory_space<vmem>>) target(%dma_start3A_20 : memref<128xf32, #tpu.memory_space<hbm>>) target_semaphore(%run_scoped3A : memref<!tpu.dma_semaphore, #tpu.memory_space<semaphore_mem>>)
      %dma_wait3A_21 = tpu.memref_slice %arg10[%mul3A_0] : memref<2048xf32, #tpu.memory_space<hbm>> -> memref<128xf32, #tpu.memory_space<hbm>>
      %dma_wait3A_22 = tpu.memref_slice %arg10[%mul3A_0] : memref<2048xf32, #tpu.memory_space<hbm>> -> memref<128xf32, #tpu.memory_space<hbm>>
      tpu.wait_dma2 semaphore(%run_scoped3A : memref<!tpu.dma_semaphore, #tpu.memory_space<semaphore_mem>>) src(%arg16 : memref<128xf32, #tpu.memory_space<vmem>>) dst(%dma_wait3A_22 : memref<128xf32, #tpu.memory_space<hbm>>)
      tpu.yield
    }) : () -> ()
    "tpu.region"() ({
      %run_scoped3A = tpu.sem_alloc : memref<!tpu.dma_semaphore, #tpu.memory_space<semaphore_mem>>
      %dma_start3A_19 = tpu.memref_slice %arg11[%mul3A_0] : memref<2048xf32, #tpu.memory_space<hbm>> -> memref<128xf32, #tpu.memory_space<hbm>>
      %dma_start3A_20 = tpu.memref_slice %arg11[%mul3A_0] : memref<2048xf32, #tpu.memory_space<hbm>> -> memref<128xf32, #tpu.memory_space<hbm>>
      tpu.enqueue_dma source(%arg17 : memref<128xf32, #tpu.memory_space<vmem>>) target(%dma_start3A_20 : memref<128xf32, #tpu.memory_space<hbm>>) target_semaphore(%run_scoped3A : memref<!tpu.dma_semaphore, #tpu.memory_space<semaphore_mem>>)
      %dma_wait3A_21 = tpu.memref_slice %arg11[%mul3A_0] : memref<2048xf32, #tpu.memory_space<hbm>> -> memref<128xf32, #tpu.memory_space<hbm>>
      %dma_wait3A_22 = tpu.memref_slice %arg11[%mul3A_0] : memref<2048xf32, #tpu.memory_space<hbm>> -> memref<128xf32, #tpu.memory_space<hbm>>
      tpu.wait_dma2 semaphore(%run_scoped3A : memref<!tpu.dma_semaphore, #tpu.memory_space<semaphore_mem>>) src(%arg17 : memref<128xf32, #tpu.memory_space<vmem>>) dst(%dma_wait3A_22 : memref<128xf32, #tpu.memory_space<hbm>>)
      tpu.yield
    }) : () -> ()
    "tpu.region"() ({
      %run_scoped3A = tpu.sem_alloc : memref<!tpu.dma_semaphore, #tpu.memory_space<semaphore_mem>>
      %dma_start3A_19 = tpu.memref_slice %arg12[%mul3A_0] : memref<2048xf32, #tpu.memory_space<hbm>> -> memref<128xf32, #tpu.memory_space<hbm>>
      %dma_start3A_20 = tpu.memref_slice %arg12[%mul3A_0] : memref<2048xf32, #tpu.memory_space<hbm>> -> memref<128xf32, #tpu.memory_space<hbm>>
      tpu.enqueue_dma source(%arg18 : memref<128xf32, #tpu.memory_space<vmem>>) target(%dma_start3A_20 : memref<128xf32, #tpu.memory_space<hbm>>) target_semaphore(%run_scoped3A : memref<!tpu.dma_semaphore, #tpu.memory_space<semaphore_mem>>)
      %dma_wait3A_21 = tpu.memref_slice %arg12[%mul3A_0] : memref<2048xf32, #tpu.memory_space<hbm>> -> memref<128xf32, #tpu.memory_space<hbm>>
      %dma_wait3A_22 = tpu.memref_slice %arg12[%mul3A_0] : memref<2048xf32, #tpu.memory_space<hbm>> -> memref<128xf32, #tpu.memory_space<hbm>>
      tpu.wait_dma2 semaphore(%run_scoped3A : memref<!tpu.dma_semaphore, #tpu.memory_space<semaphore_mem>>) src(%arg18 : memref<128xf32, #tpu.memory_space<vmem>>) dst(%dma_wait3A_22 : memref<128xf32, #tpu.memory_space<hbm>>)
      tpu.yield
    }) : () -> ()
    return
  }
}

module attributes {stable_mosaic.version = 14 : i64} {
  func.func @_invert_body(%arg0: memref<1x20480xi32, #tpu.memory_space<vmem>>, %arg1: memref<1x2048xi32, #tpu.memory_space<vmem>>) attributes {dimension_semantics = [], scalar_prefetch = 0 : i64, scratch_operands = 0 : i64, tpu.core_type = #tpu.core_type<tc>} {
    %iota3A = tpu.iota {dimensions = array<i32: 0>} : vector<128x128xi32>
    %iota3A_0 = tpu.iota {dimensions = array<i32: 1>} : vector<128x128xi32>
    %eq3A = arith.cmpi eq, %iota3A, %iota3A_0 : vector<128x128xi32>
    %convert_element_type3A = arith.extui %eq3A : vector<128x128xi1> to vector<128x128xi32>
    %convert_element_type3A_1 = arith.sitofp %convert_element_type3A : vector<128x128xi32> to vector<128x128xf32>
    %convert_element_type3A_2 = arith.truncf %convert_element_type3A_1 : vector<128x128xf32> to vector<128x128xbf16>
    %iota3A_3 = tpu.iota {dimensions = array<i32: 0>} : vector<128x1xi32>
    %iota3A_4 = tpu.iota {dimensions = array<i32: 0>} : vector<20480x1xi32>
    %jit3A = arith.constant 128 : i32
    %div3A = vector.broadcast %jit3A : i32 to vector<20480x1xi32>
    %div3A_5 = arith.divsi %iota3A_4, %div3A : vector<20480x1xi32>
    %sign3A = arith.constant 0 : i32
    %sign3A_6 = vector.broadcast %sign3A : i32 to vector<20480x1xi32>
    %sign3A_7 = arith.cmpi sgt, %iota3A_4, %sign3A_6 : vector<20480x1xi32>
    %sign3A_8 = arith.extui %sign3A_7 : vector<20480x1xi1> to vector<20480x1xi32>
    %sign3A_9 = arith.constant 0 : i32
    %sign3A_10 = vector.broadcast %sign3A_9 : i32 to vector<20480x1xi32>
    %sign3A_11 = arith.cmpi slt, %iota3A_4, %sign3A_10 : vector<20480x1xi32>
    %sign3A_12 = arith.extui %sign3A_11 : vector<20480x1xi1> to vector<20480x1xi32>
    %sign3A_13 = arith.subi %sign3A_8, %sign3A_12 : vector<20480x1xi32>
    %sign3A_14 = arith.constant 0 : i32
    %sign3A_15 = arith.cmpi sgt, %jit3A, %sign3A_14 : i32
    %sign3A_16 = arith.extui %sign3A_15 : i1 to i32
    %sign3A_17 = arith.constant 0 : i32
    %sign3A_18 = arith.cmpi slt, %jit3A, %sign3A_17 : i32
    %sign3A_19 = arith.extui %sign3A_18 : i1 to i32
    %sign3A_20 = arith.subi %sign3A_16, %sign3A_19 : i32
    %ne3A = vector.broadcast %sign3A_20 : i32 to vector<20480x1xi32>
    %ne3A_21 = arith.cmpi ne, %sign3A_13, %ne3A : vector<20480x1xi32>
    %rem3A = vector.broadcast %jit3A : i32 to vector<20480x1xi32>
    %rem3A_22 = arith.remsi %iota3A_4, %rem3A : vector<20480x1xi32>
    %ne3A_23 = arith.constant 0 : i32
    %ne3A_24 = vector.broadcast %ne3A_23 : i32 to vector<20480x1xi32>
    %ne3A_25 = arith.cmpi ne, %rem3A_22, %ne3A_24 : vector<20480x1xi32>
    %and3A = arith.andi %ne3A_21, %ne3A_25 : vector<20480x1xi1>
    %sub3A = arith.constant 1 : i32
    %sub3A_26 = vector.broadcast %sub3A : i32 to vector<20480x1xi32>
    %sub3A_27 = arith.subi %div3A_5, %sub3A_26 : vector<20480x1xi32>
    %select_n3A = arith.select %and3A, %sub3A_27, %div3A_5 : vector<20480x1xi1>, vector<20480x1xi32>
    %convert_element_type3A_28 = arith.sitofp %select_n3A : vector<20480x1xi32> to vector<20480x1xbf16>
    %jit3A_29 = arith.constant 128 : i32
    %eq3A_30 = arith.constant 0 : i32
    %eq3A_31 = arith.cmpi eq, %jit3A_29, %eq3A_30 : i32
    %jit3A_32 = arith.constant 1 : i32
    %select_n3A_33 = arith.select %eq3A_31, %jit3A_32, %jit3A_29 : i32
    %rem3A_34 = vector.broadcast %select_n3A_33 : i32 to vector<20480x1xi32>
    %rem3A_35 = arith.remsi %iota3A_4, %rem3A_34 : vector<20480x1xi32>
    %ne3A_36 = arith.constant 0 : i32
    %ne3A_37 = vector.broadcast %ne3A_36 : i32 to vector<20480x1xi32>
    %ne3A_38 = arith.cmpi ne, %rem3A_35, %ne3A_37 : vector<20480x1xi32>
    %lt3A = arith.constant 0 : i32
    %lt3A_39 = vector.broadcast %lt3A : i32 to vector<20480x1xi32>
    %lt3A_40 = arith.cmpi slt, %rem3A_35, %lt3A_39 : vector<20480x1xi32>
    %lt3A_41 = arith.constant 0 : i32
    %lt3A_42 = arith.cmpi slt, %select_n3A_33, %lt3A_41 : i32
    %ne3A_43 = vector.broadcast %lt3A_42 : i1 to vector<20480x1xi1>
    %ne3A_44 = vector.broadcast %ne3A_43 : vector<20480x1xi1> to vector<20480x1xi1>
    %ne3A_45 = arith.xori %lt3A_40, %ne3A_44 : vector<20480x1xi1>
    %and3A_46 = arith.andi %ne3A_45, %ne3A_38 : vector<20480x1xi1>
    %add3A = vector.broadcast %select_n3A_33 : i32 to vector<20480x1xi32>
    %add3A_47 = arith.addi %rem3A_35, %add3A : vector<20480x1xi32>
    %select_n3A_48 = arith.select %and3A_46, %add3A_47, %rem3A_35 : vector<20480x1xi1>, vector<20480x1xi32>
    %convert_element_type3A_49 = arith.sitofp %select_n3A_48 : vector<20480x1xi32> to vector<20480x1xbf16>
    %get3A = arith.constant 0 : index
    %get3A_50 = arith.constant 0 : index
    %get3A_51 = vector.load %arg0[%get3A, %get3A_50] : memref<1x20480xi32, #tpu.memory_space<vmem>>, vector<1x20480xi32>
    %scan3A = arith.constant 0 : i32
    %scan3A_52 = arith.constant 16 : i32
    %scan3A_53 = arith.addi %scan3A, %scan3A_52 : i32
    %scan3A_54 = arith.constant 1 : i32
    scf.for %scan3A_56 = %scan3A to %scan3A_53 step %scan3A_54  : i32 {
      %mul3A = arith.constant 128 : i32
      %mul3A_57 = arith.muli %scan3A_56, %mul3A : i32
      %add3A_58 = vector.broadcast %mul3A_57 : i32 to vector<128x1xi32>
      %add3A_59 = arith.addi %iota3A_3, %add3A_58 : vector<128x1xi32>
      %eq3A_60 = vector.broadcast %get3A_51 : vector<1x20480xi32> to vector<128x20480xi32>
      %eq3A_61 = vector.broadcast %add3A_59 : vector<128x1xi32> to vector<128x20480xi32>
      %eq3A_62 = arith.cmpi eq, %eq3A_60, %eq3A_61 : vector<128x20480xi32>
      %convert_element_type3A_63 = arith.extui %eq3A_62 : vector<128x20480xi1> to vector<128x20480xi32>
      %convert_element_type3A_64 = arith.sitofp %convert_element_type3A_63 : vector<128x20480xi32> to vector<128x20480xf32>
      %convert_element_type3A_65 = arith.truncf %convert_element_type3A_64 : vector<128x20480xf32> to vector<128x20480xbf16>
      %concatenate3A = tpu.concatenate %convert_element_type3A_28, %convert_element_type3A_49 in 1 : vector<20480x1xbf16>, vector<20480x1xbf16> -> vector<20480x2xbf16>
      %dot_general3A = arith.constant dense<0.000000e+00> : vector<128x2xf32>
      %dot_general3A_66 = tpu.matmul %convert_element_type3A_65, %concatenate3A, %dot_general3A {dimension_numbers = #tpu.dot_dimension_numbers<[1], [0], [0], [1], [0, 0, 1, 1], [], []>, transpose_lhs_hint = false} : vector<128x20480xbf16>, vector<20480x2xbf16>, vector<128x2xf32> -> vector<128x2xf32>
      %convert_element_type3A_67 = arith.truncf %dot_general3A_66 : vector<128x2xf32> to vector<128x2xbf16>
      %dot_general3A_68 = arith.constant dense<0.000000e+00> : vector<2x128xf32>
      %dot_general3A_69 = tpu.matmul %convert_element_type3A_67, %convert_element_type3A_2, %dot_general3A_68 {dimension_numbers = #tpu.dot_dimension_numbers<[0], [0], [1], [1], [0, 1, 1, 1], [], []>, transpose_lhs_hint = false} : vector<128x2xbf16>, vector<128x128xbf16>, vector<2x128xf32> -> vector<2x128xf32>
      %iota3A_70 = tpu.iota {dimensions = array<i32: 1>} : vector<1x128xi32>
      %mul3A_71 = arith.constant 128 : i32
      %mul3A_72 = arith.muli %scan3A_56, %mul3A_71 : i32
      %add3A_73 = vector.broadcast %mul3A_72 : i32 to vector<1x128xi32>
      %add3A_74 = arith.addi %iota3A_70, %add3A_73 : vector<1x128xi32>
      %iota3A_75 = tpu.iota {dimensions = array<i32: 1>} : vector<1x128xi32>
      %jit3A_76 = arith.constant 16 : i32
      %eq3A_77 = arith.constant 0 : i32
      %eq3A_78 = arith.cmpi eq, %jit3A_76, %eq3A_77 : i32
      %jit3A_79 = arith.constant 1 : i32
      %select_n3A_80 = arith.select %eq3A_78, %jit3A_79, %jit3A_76 : i32
      %rem3A_81 = vector.broadcast %select_n3A_80 : i32 to vector<1x128xi32>
      %rem3A_82 = arith.remsi %iota3A_75, %rem3A_81 : vector<1x128xi32>
      %ne3A_83 = arith.constant 0 : i32
      %ne3A_84 = vector.broadcast %ne3A_83 : i32 to vector<1x128xi32>
      %ne3A_85 = arith.cmpi ne, %rem3A_82, %ne3A_84 : vector<1x128xi32>
      %lt3A_86 = arith.constant 0 : i32
      %lt3A_87 = vector.broadcast %lt3A_86 : i32 to vector<1x128xi32>
      %lt3A_88 = arith.cmpi slt, %rem3A_82, %lt3A_87 : vector<1x128xi32>
      %lt3A_89 = arith.constant 0 : i32
      %lt3A_90 = arith.cmpi slt, %select_n3A_80, %lt3A_89 : i32
      %ne3A_91 = vector.broadcast %lt3A_90 : i1 to vector<1x128xi1>
      %ne3A_92 = vector.broadcast %ne3A_91 : vector<1x128xi1> to vector<1x128xi1>
      %ne3A_93 = arith.xori %lt3A_88, %ne3A_92 : vector<1x128xi1>
      %and3A_94 = arith.andi %ne3A_93, %ne3A_85 : vector<1x128xi1>
      %add3A_95 = vector.broadcast %select_n3A_80 : i32 to vector<1x128xi32>
      %add3A_96 = arith.addi %rem3A_82, %add3A_95 : vector<1x128xi32>
      %select_n3A_97 = arith.select %and3A_94, %add3A_96, %rem3A_82 : vector<1x128xi1>, vector<1x128xi32>
      %slice3A = vector.extract_strided_slice %dot_general3A_69 {offsets = [0, 0], sizes = [1, 128], strides = [1, 1]} : vector<2x128xf32> to vector<1x128xf32>
      %mul3A_98 = arith.constant 1.280000e+02 : f32
      %mul3A_99 = vector.broadcast %mul3A_98 : f32 to vector<1x128xf32>
      %mul3A_100 = arith.mulf %slice3A, %mul3A_99 : vector<1x128xf32>
      %slice3A_101 = vector.extract_strided_slice %dot_general3A_69 {offsets = [1, 0], sizes = [1, 128], strides = [1, 1]} : vector<2x128xf32> to vector<1x128xf32>
      %add3A_102 = arith.addf %mul3A_100, %slice3A_101 : vector<1x128xf32>
      %convert_element_type3A_103 = arith.fptosi %add3A_102 : vector<1x128xf32> to vector<1x128xi32>
      %ge3A = arith.constant 2000 : i32
      %ge3A_104 = vector.broadcast %ge3A : i32 to vector<1x128xi32>
      %ge3A_105 = arith.cmpi sge, %add3A_74, %ge3A_104 : vector<1x128xi32>
      %add3A_106 = arith.constant 20464 : i32
      %add3A_107 = vector.broadcast %add3A_106 : i32 to vector<1x128xi32>
      %add3A_108 = arith.addi %add3A_107, %select_n3A_97 : vector<1x128xi32>
      %select_n3A_109 = arith.select %ge3A_105, %add3A_108, %convert_element_type3A_103 : vector<1x128xi1>, vector<1x128xi32>
      %mul3A_110 = arith.constant 128 : i32
      %mul3A_111 = arith.muli %scan3A_56, %mul3A_110 : i32
      %swap3A = arith.constant 0 : index
      %swap3A_112 = arith.index_cast %mul3A_111 : i32 to index
      %swap3A_113 = vector.load %arg1[%swap3A, %swap3A_112] : memref<1x2048xi32, #tpu.memory_space<vmem>>, vector<1x128xi32>
      tpu.vector_store %arg1[%swap3A, %swap3A_112], %select_n3A_109 {strides = array<i32>} : memref<1x2048xi32, #tpu.memory_space<vmem>>, vector<1x128xi32>,
    }
    %scan3A_55 = arith.constant 16 : i32
    return
  }
}

module attributes {stable_mosaic.version = 14 : i64} {
  func.func @_match_body(%arg0: memref<64x4xf32, #tpu.memory_space<smem>>, %arg1: memref<160x128xf32, #tpu.memory_space<vmem>>, %arg2: memref<160x128xf32, #tpu.memory_space<vmem>>, %arg3: memref<160x128xf32, #tpu.memory_space<vmem>>, %arg4: memref<160x128xf32, #tpu.memory_space<vmem>>, %arg5: memref<160x128xf32, #tpu.memory_space<vmem>>, %arg6: memref<160x128xf32, #tpu.memory_space<vmem>>, %arg7: memref<160x128xi32, #tpu.memory_space<vmem>>, %arg8: memref<160x128xi32, #tpu.memory_space<vmem>>) attributes {dimension_semantics = [], scalar_prefetch = 0 : i64, scratch_operands = 0 : i64, tpu.core_type = #tpu.core_type<tc>} {
    %get3A = arith.constant 0 : index
    %get3A_0 = arith.constant 0 : index
    %get3A_1 = vector.load %arg1[%get3A, %get3A_0] : memref<160x128xf32, #tpu.memory_space<vmem>>, vector<160x128xf32>
    %get3A_2 = arith.constant 0 : index
    %get3A_3 = arith.constant 0 : index
    %get3A_4 = vector.load %arg2[%get3A_2, %get3A_3] : memref<160x128xf32, #tpu.memory_space<vmem>>, vector<160x128xf32>
    %get3A_5 = arith.constant 0 : index
    %get3A_6 = arith.constant 0 : index
    %get3A_7 = vector.load %arg3[%get3A_5, %get3A_6] : memref<160x128xf32, #tpu.memory_space<vmem>>, vector<160x128xf32>
    %get3A_8 = arith.constant 0 : index
    %get3A_9 = arith.constant 0 : index
    %get3A_10 = vector.load %arg4[%get3A_8, %get3A_9] : memref<160x128xf32, #tpu.memory_space<vmem>>, vector<160x128xf32>
    %sub3A = arith.subf %get3A_7, %get3A_1 : vector<160x128xf32>
    %sub3A_11 = arith.subf %get3A_10, %get3A_4 : vector<160x128xf32>
    %mul3A = arith.mulf %sub3A, %sub3A_11 : vector<160x128xf32>
    %broadcast_in_dim3A = arith.constant -1.000000e+00 : f32
    %broadcast_in_dim3A_12 = vector.broadcast %broadcast_in_dim3A : f32 to vector<160x128xf32>
    %broadcast_in_dim3A_13 = arith.constant 0 : i32
    %broadcast_in_dim3A_14 = vector.broadcast %broadcast_in_dim3A_13 : i32 to vector<160x128xi32>
    %scan3A = arith.constant 0 : i32
    %scan3A_15 = arith.constant 64 : i32
    %scan3A_16 = arith.addi %scan3A, %scan3A_15 : i32
    %scan3A_17 = arith.constant 1 : i32
    %scan3A_18:2 = scf.for %scan3A_97 = %scan3A to %scan3A_16 step %scan3A_17 iter_args(%scan3A_98 = %broadcast_in_dim3A_12, %scan3A_99 = %broadcast_in_dim3A_14) -> (vector<160x128xf32>, vector<160x128xi32>)  : i32 {
      %get3A_100 = arith.index_cast %scan3A_97 : i32 to index
      %get3A_101 = arith.constant 0 : index
      %get3A_102 = memref.load %arg0[%get3A_100, %get3A_101] : memref<64x4xf32, #tpu.memory_space<smem>>
      %get3A_103 = arith.index_cast %scan3A_97 : i32 to index
      %get3A_104 = arith.constant 1 : index
      %get3A_105 = memref.load %arg0[%get3A_103, %get3A_104] : memref<64x4xf32, #tpu.memory_space<smem>>
      %get3A_106 = arith.index_cast %scan3A_97 : i32 to index
      %get3A_107 = arith.constant 2 : index
      %get3A_108 = memref.load %arg0[%get3A_106, %get3A_107] : memref<64x4xf32, #tpu.memory_space<smem>>
      %get3A_109 = arith.index_cast %scan3A_97 : i32 to index
      %get3A_110 = arith.constant 3 : index
      %get3A_111 = memref.load %arg0[%get3A_109, %get3A_110] : memref<64x4xf32, #tpu.memory_space<smem>>
      %sub3A_112 = arith.subf %get3A_108, %get3A_102 : f32
      %sub3A_113 = arith.subf %get3A_111, %get3A_105 : f32
      %mul3A_114 = arith.mulf %sub3A_112, %sub3A_113 : f32
      %min3A = vector.broadcast %get3A_108 : f32 to vector<160x128xf32>
      %min3A_115 = arith.minimumf %get3A_7, %min3A : vector<160x128xf32>
      %max3A = vector.broadcast %get3A_102 : f32 to vector<160x128xf32>
      %max3A_116 = arith.maximumf %get3A_1, %max3A : vector<160x128xf32>
      %sub3A_117 = arith.subf %min3A_115, %max3A_116 : vector<160x128xf32>
      %max3A_118 = arith.constant 0.000000e+00 : f32
      %max3A_119 = vector.broadcast %max3A_118 : f32 to vector<160x128xf32>
      %max3A_120 = arith.maximumf %sub3A_117, %max3A_119 : vector<160x128xf32>
      %min3A_121 = vector.broadcast %get3A_111 : f32 to vector<160x128xf32>
      %min3A_122 = arith.minimumf %get3A_10, %min3A_121 : vector<160x128xf32>
      %max3A_123 = vector.broadcast %get3A_105 : f32 to vector<160x128xf32>
      %max3A_124 = arith.maximumf %get3A_4, %max3A_123 : vector<160x128xf32>
      %sub3A_125 = arith.subf %min3A_122, %max3A_124 : vector<160x128xf32>
      %max3A_126 = arith.constant 0.000000e+00 : f32
      %max3A_127 = vector.broadcast %max3A_126 : f32 to vector<160x128xf32>
      %max3A_128 = arith.maximumf %sub3A_125, %max3A_127 : vector<160x128xf32>
      %mul3A_129 = arith.mulf %max3A_120, %max3A_128 : vector<160x128xf32>
      %add3A_130 = vector.broadcast %mul3A_114 : f32 to vector<160x128xf32>
      %add3A_131 = arith.addf %mul3A, %add3A_130 : vector<160x128xf32>
      %sub3A_132 = arith.subf %add3A_131, %mul3A_129 : vector<160x128xf32>
      %max3A_133 = arith.constant 9.99999971E-10 : f32
      %max3A_134 = vector.broadcast %max3A_133 : f32 to vector<160x128xf32>
      %max3A_135 = arith.maximumf %sub3A_132, %max3A_134 : vector<160x128xf32>
      %div3A = arith.divf %mul3A_129, %max3A_135 : vector<160x128xf32>
      %gt3A_136 = arith.cmpf ogt, %div3A, %scan3A_98 : vector<160x128xf32>
      %select_n3A_137 = arith.select %gt3A_136, %div3A, %scan3A_98 : vector<160x128xi1>, vector<160x128xf32>
      %broadcast_in_dim3A_138 = vector.broadcast %scan3A_97 : i32 to vector<160x128xi32>
      %select_n3A_139 = arith.select %gt3A_136, %broadcast_in_dim3A_138, %scan3A_99 : vector<160x128xi1>, vector<160x128xi32>
      scf.yield %select_n3A_137, %select_n3A_139 : vector<160x128xf32>, vector<160x128xi32>
    }
    %scan3A_19 = arith.constant 64 : i32
    %swap3A = arith.constant 0 : index
    %swap3A_20 = arith.constant 0 : index
    %swap3A_21 = vector.load %arg6[%swap3A, %swap3A_20] : memref<160x128xf32, #tpu.memory_space<vmem>>, vector<160x128xf32>
    tpu.vector_store %arg6[%swap3A, %swap3A_20], %scan3A_18#0 {strides = array<i32>} : memref<160x128xf32, #tpu.memory_space<vmem>>, vector<160x128xf32>,
    %swap3A_22 = arith.constant 0 : index
    %swap3A_23 = arith.constant 0 : index
    %swap3A_24 = vector.load %arg7[%swap3A_22, %swap3A_23] : memref<160x128xi32, #tpu.memory_space<vmem>>, vector<160x128xi32>
    tpu.vector_store %arg7[%swap3A_22, %swap3A_23], %scan3A_18#1 {strides = array<i32>} : memref<160x128xi32, #tpu.memory_space<vmem>>, vector<160x128xi32>,
    %get3A_25 = arith.constant 0 : index
    %get3A_26 = arith.constant 0 : index
    %get3A_27 = vector.load %arg5[%get3A_25, %get3A_26] : memref<160x128xf32, #tpu.memory_space<vmem>>, vector<160x128xf32>
    %bitcast_convert_type3A = tpu.bitcast %get3A_27 : vector<160x128xf32> -> vector<160x128xi32>
    %iota3A = tpu.iota {dimensions = array<i32: 0>} : vector<160x128xi32>
    %mul3A_28 = arith.constant 128 : i32
    %mul3A_29 = vector.broadcast %mul3A_28 : i32 to vector<160x128xi32>
    %mul3A_30 = arith.muli %iota3A, %mul3A_29 : vector<160x128xi32>
    %iota3A_31 = tpu.iota {dimensions = array<i32: 1>} : vector<160x128xi32>
    %add3A = arith.addi %mul3A_30, %iota3A_31 : vector<160x128xi32>
    %lt3A = arith.constant 20000 : i32
    %lt3A_32 = vector.broadcast %lt3A : i32 to vector<160x128xi32>
    %lt3A_33 = arith.cmpi slt, %add3A, %lt3A_32 : vector<160x128xi32>
    %scan3A_34 = arith.constant 0 : i32
    %scan3A_35 = arith.constant 0 : i32
    %scan3A_36 = arith.constant 30 : i32
    %scan3A_37 = arith.addi %scan3A_35, %scan3A_36 : i32
    %scan3A_38 = arith.constant 1 : i32
    %scan3A_39 = scf.for %scan3A_97 = %scan3A_35 to %scan3A_37 step %scan3A_38 iter_args(%scan3A_98 = %scan3A_34) -> (i32)  : i32 {
      %sub3A_99 = arith.constant 29 : i32
      %sub3A_100 = arith.subi %sub3A_99, %scan3A_97 : i32
      %shift_left3A = arith.constant 1 : i32
      %shift_left3A_101 = arith.shli %shift_left3A, %sub3A_100 : i32
      %or3A_102 = arith.ori %scan3A_98, %shift_left3A_101 : i32
      %ge3A = vector.broadcast %or3A_102 : i32 to vector<160x128xi32>
      %ge3A_103 = arith.cmpi sge, %bitcast_convert_type3A, %ge3A : vector<160x128xi32>
      %and3A_104 = arith.andi %ge3A_103, %lt3A_33 : vector<160x128xi1>
      %convert_element_type3A_105 = arith.extui %and3A_104 : vector<160x128xi1> to vector<160x128xi32>
      %reduce_sum3A_106 = vector.shape_cast %convert_element_type3A_105 : vector<160x128xi32> to vector<1x160x128xi32>
      %reduce_sum3A_107 = arith.constant dense<0> : vector<1xi32>
      %reduce_sum3A_108 = vector.multi_reduction <add>, %reduce_sum3A_106, %reduce_sum3A_107 [1, 2] : vector<1x160x128xi32> to vector<1xi32>
      %reduce_sum3A_109 = vector.shape_cast %reduce_sum3A_108 : vector<1xi32> to vector<1x1x1xi32>
      %reduce_sum3A_110 = vector.extract %reduce_sum3A_109[0, 0, 0] : i32 from vector<1x1x1xi32>
      %ge3A_111 = arith.constant 2000 : i32
      %ge3A_112 = arith.cmpi sge, %reduce_sum3A_110, %ge3A_111 : i32
      %select_n3A_113 = arith.select %ge3A_112, %or3A_102, %scan3A_98 : i32
      scf.yield %select_n3A_113 : i32
    }
    %scan3A_40 = arith.constant 30 : i32
    %gt3A = vector.broadcast %scan3A_39 : i32 to vector<160x128xi32>
    %gt3A_41 = arith.cmpi sgt, %bitcast_convert_type3A, %gt3A : vector<160x128xi32>
    %and3A = arith.andi %gt3A_41, %lt3A_33 : vector<160x128xi1>
    %convert_element_type3A = arith.extui %and3A : vector<160x128xi1> to vector<160x128xi32>
    %reduce_sum3A = vector.shape_cast %convert_element_type3A : vector<160x128xi32> to vector<1x160x128xi32>
    %reduce_sum3A_42 = arith.constant dense<0> : vector<1xi32>
    %reduce_sum3A_43 = vector.multi_reduction <add>, %reduce_sum3A, %reduce_sum3A_42 [1, 2] : vector<1x160x128xi32> to vector<1xi32>
    %reduce_sum3A_44 = vector.shape_cast %reduce_sum3A_43 : vector<1xi32> to vector<1x1x1xi32>
    %reduce_sum3A_45 = vector.extract %reduce_sum3A_44[0, 0, 0] : i32 from vector<1x1x1xi32>
    %sub3A_46 = arith.constant 2000 : i32
    %sub3A_47 = arith.subi %sub3A_46, %reduce_sum3A_45 : i32
    %eq3A = vector.broadcast %scan3A_39 : i32 to vector<160x128xi32>
    %eq3A_48 = arith.cmpi eq, %bitcast_convert_type3A, %eq3A : vector<160x128xi32>
    %and3A_49 = arith.andi %eq3A_48, %lt3A_33 : vector<160x128xi1>
    %scan3A_50 = arith.constant 0 : i32
    %scan3A_51 = arith.constant 0 : i32
    %scan3A_52 = arith.constant 15 : i32
    %scan3A_53 = arith.addi %scan3A_51, %scan3A_52 : i32
    %scan3A_54 = arith.constant 1 : i32
    %scan3A_55 = scf.for %scan3A_97 = %scan3A_51 to %scan3A_53 step %scan3A_54 iter_args(%scan3A_98 = %scan3A_50) -> (i32)  : i32 {
      %sub3A_99 = arith.constant 14 : i32
      %sub3A_100 = arith.subi %sub3A_99, %scan3A_97 : i32
      %shift_left3A = arith.constant 1 : i32
      %shift_left3A_101 = arith.shli %shift_left3A, %sub3A_100 : i32
      %or3A_102 = arith.ori %scan3A_98, %shift_left3A_101 : i32
      %lt3A_103 = vector.broadcast %or3A_102 : i32 to vector<160x128xi32>
      %lt3A_104 = arith.cmpi slt, %add3A, %lt3A_103 : vector<160x128xi32>
      %and3A_105 = arith.andi %and3A_49, %lt3A_104 : vector<160x128xi1>
      %convert_element_type3A_106 = arith.extui %and3A_105 : vector<160x128xi1> to vector<160x128xi32>
      %reduce_sum3A_107 = vector.shape_cast %convert_element_type3A_106 : vector<160x128xi32> to vector<1x160x128xi32>
      %reduce_sum3A_108 = arith.constant dense<0> : vector<1xi32>
      %reduce_sum3A_109 = vector.multi_reduction <add>, %reduce_sum3A_107, %reduce_sum3A_108 [1, 2] : vector<1x160x128xi32> to vector<1xi32>
      %reduce_sum3A_110 = vector.shape_cast %reduce_sum3A_109 : vector<1xi32> to vector<1x1x1xi32>
      %reduce_sum3A_111 = vector.extract %reduce_sum3A_110[0, 0, 0] : i32 from vector<1x1x1xi32>
      %lt3A_112 = arith.cmpi slt, %reduce_sum3A_111, %sub3A_47 : i32
      %select_n3A_113 = arith.select %lt3A_112, %or3A_102, %scan3A_98 : i32
      scf.yield %select_n3A_113 : i32
    }
    %scan3A_56 = arith.constant 15 : i32
    %add3A_57 = arith.constant 1 : i32
    %add3A_58 = arith.addi %scan3A_55, %add3A_57 : i32
    %gt3A_59 = vector.broadcast %scan3A_39 : i32 to vector<160x128xi32>
    %gt3A_60 = arith.cmpi sgt, %bitcast_convert_type3A, %gt3A_59 : vector<160x128xi32>
    %eq3A_61 = vector.broadcast %scan3A_39 : i32 to vector<160x128xi32>
    %eq3A_62 = arith.cmpi eq, %bitcast_convert_type3A, %eq3A_61 : vector<160x128xi32>
    %lt3A_63 = vector.broadcast %add3A_58 : i32 to vector<160x128xi32>
    %lt3A_64 = arith.cmpi slt, %add3A, %lt3A_63 : vector<160x128xi32>
    %and3A_65 = arith.andi %eq3A_62, %lt3A_64 : vector<160x128xi1>
    %or3A = arith.ori %gt3A_60, %and3A_65 : vector<160x128xi1>
    %convert_element_type3A_66 = arith.extui %or3A : vector<160x128xi1> to vector<160x128xi32>
    %convert_element_type3A_67 = arith.sitofp %convert_element_type3A_66 : vector<160x128xi32> to vector<160x128xf32>
    %iota3A_68 = tpu.iota {dimensions = array<i32: 0>} : vector<128x128xi32>
    %iota3A_69 = tpu.iota {dimensions = array<i32: 1>} : vector<128x128xi32>
    %le3A = arith.cmpi sle, %iota3A_68, %iota3A_69 : vector<128x128xi32>
    %convert_element_type3A_70 = arith.extui %le3A : vector<128x128xi1> to vector<128x128xi32>
    %convert_element_type3A_71 = arith.sitofp %convert_element_type3A_70 : vector<128x128xi32> to vector<128x128xf32>
    %dot_general3A = arith.constant dense<0.000000e+00> : vector<160x128xf32>
    %dot_general3A_72 = tpu.matmul %convert_element_type3A_67, %convert_element_type3A_71, %dot_general3A {dimension_numbers = #tpu.dot_dimension_numbers<[1], [0], [0], [1], [0, 0, 1, 1], [], []>, transpose_lhs_hint = false} : vector<160x128xf32>, vector<128x128xf32>, vector<160x128xf32> -> vector<160x128xf32>
    %broadcast_in_dim3A_73 = arith.constant 1.000000e+00 : f32
    %broadcast_in_dim3A_74 = vector.broadcast %broadcast_in_dim3A_73 : f32 to vector<128x1xf32>
    %dot_general3A_75 = arith.constant dense<0.000000e+00> : vector<160x1xf32>
    %dot_general3A_76 = tpu.matmul %convert_element_type3A_67, %broadcast_in_dim3A_74, %dot_general3A_75 {dimension_numbers = #tpu.dot_dimension_numbers<[1], [0], [0], [1], [0, 0, 1, 1], [], []>, transpose_lhs_hint = false} : vector<160x128xf32>, vector<128x1xf32>, vector<160x1xf32> -> vector<160x1xf32>
    %iota3A_77 = tpu.iota {dimensions = array<i32: 0>} : vector<160x160xi32>
    %iota3A_78 = tpu.iota {dimensions = array<i32: 1>} : vector<160x160xi32>
    %gt3A_79 = arith.cmpi sgt, %iota3A_77, %iota3A_78 : vector<160x160xi32>
    %convert_element_type3A_80 = arith.extui %gt3A_79 : vector<160x160xi1> to vector<160x160xi32>
    %convert_element_type3A_81 = arith.sitofp %convert_element_type3A_80 : vector<160x160xi32> to vector<160x160xf32>
    %dot_general3A_82 = arith.constant dense<0.000000e+00> : vector<160x1xf32>
    %dot_general3A_83 = tpu.matmul %convert_element_type3A_81, %dot_general3A_76, %dot_general3A_82 {dimension_numbers = #tpu.dot_dimension_numbers<[1], [0], [0], [1], [0, 0, 1, 1], [], []>, transpose_lhs_hint = false} : vector<160x160xf32>, vector<160x1xf32>, vector<160x1xf32> -> vector<160x1xf32>
    %add3A_84 = vector.broadcast %dot_general3A_83 : vector<160x1xf32> to vector<160x128xf32>
    %add3A_85 = arith.addf %add3A_84, %dot_general3A_72 : vector<160x128xf32>
    %sub3A_86 = arith.subf %add3A_85, %convert_element_type3A_67 : vector<160x128xf32>
    %and3A_87 = arith.constant 2047 : i32
    %and3A_88 = vector.broadcast %and3A_87 : i32 to vector<160x128xi32>
    %and3A_89 = arith.andi %add3A, %and3A_88 : vector<160x128xi32>
    %add3A_90 = arith.constant 2048 : i32
    %add3A_91 = vector.broadcast %add3A_90 : i32 to vector<160x128xi32>
    %add3A_92 = arith.addi %add3A_91, %and3A_89 : vector<160x128xi32>
    %convert_element_type3A_93 = arith.fptosi %sub3A_86 : vector<160x128xf32> to vector<160x128xi32>
    %select_n3A = arith.select %or3A, %convert_element_type3A_93, %add3A_92 : vector<160x128xi1>, vector<160x128xi32>
    %swap3A_94 = arith.constant 0 : index
    %swap3A_95 = arith.constant 0 : index
    %swap3A_96 = vector.load %arg8[%swap3A_94, %swap3A_95] : memref<160x128xi32, #tpu.memory_space<vmem>>, vector<160x128xi32>
    tpu.vector_store %arg8[%swap3A_94, %swap3A_95], %select_n3A {strides = array<i32>} : memref<160x128xi32, #tpu.memory_space<vmem>>, vector<160x128xi32>,
    return
  }
}

module attributes {stable_mosaic.version = 14 : i64} {
  func.func @_rank_body(%arg0: memref<1x2048xf32, #tpu.memory_space<vmem>>, %arg1: memref<1x2048xi32, #tpu.memory_space<vmem>>, %arg2: memref<2048x1xf32, #tpu.memory_space<vmem>>, %arg3: memref<2048x1xf32, #tpu.memory_space<vmem>>, %arg4: memref<2048x8xf32, #tpu.memory_space<vmem>>, %arg5: memref<2048x8xf32, #tpu.memory_space<vmem>>, %arg6: memref<1x2048xf32, #tpu.memory_space<vmem>>) attributes {dimension_semantics = [], scalar_prefetch = 0 : i64, scratch_operands = 1 : i64, tpu.core_type = #tpu.core_type<tc>} {
    %iota3A = tpu.iota {dimensions = array<i32: 0>} : vector<128x128xi32>
    %iota3A_0 = tpu.iota {dimensions = array<i32: 1>} : vector<128x128xi32>
    %eq3A = arith.cmpi eq, %iota3A, %iota3A_0 : vector<128x128xi32>
    %convert_element_type3A = arith.extui %eq3A : vector<128x128xi1> to vector<128x128xi32>
    %convert_element_type3A_1 = arith.sitofp %convert_element_type3A : vector<128x128xi32> to vector<128x128xf32>
    %get3A = arith.constant 0 : index
    %get3A_2 = arith.constant 0 : index
    %get3A_3 = vector.load %arg0[%get3A, %get3A_2] : memref<1x2048xf32, #tpu.memory_space<vmem>>, vector<1x2048xf32>
    %get3A_4 = arith.constant 0 : index
    %get3A_5 = arith.constant 0 : index
    %get3A_6 = vector.load %arg1[%get3A_4, %get3A_5] : memref<1x2048xi32, #tpu.memory_space<vmem>>, vector<1x2048xi32>
    %convert_element_type3A_7 = arith.sitofp %get3A_6 : vector<1x2048xi32> to vector<1x2048xf32>
    %scan3A = arith.constant 0 : i32
    %scan3A_8 = arith.constant 16 : i32
    %scan3A_9 = arith.addi %scan3A, %scan3A_8 : i32
    %scan3A_10 = arith.constant 1 : i32
    scf.for %scan3A_22 = %scan3A to %scan3A_9 step %scan3A_10  : i32 {
      %mul3A = arith.constant 128 : i32
      %mul3A_23 = arith.muli %scan3A_22, %mul3A : i32
      %get3A_24 = arith.index_cast %mul3A_23 : i32 to index
      %get3A_25 = arith.constant 0 : index
      %get3A_26 = vector.load %arg2[%get3A_24, %get3A_25] : memref<2048x1xf32, #tpu.memory_space<vmem>>, vector<128x1xf32>
      %get3A_27 = arith.index_cast %mul3A_23 : i32 to index
      %get3A_28 = arith.constant 0 : index
      %get3A_29 = vector.load %arg3[%get3A_27, %get3A_28] : memref<2048x1xf32, #tpu.memory_space<vmem>>, vector<128x1xf32>
      %gt3A = vector.broadcast %get3A_3 : vector<1x2048xf32> to vector<128x2048xf32>
      %gt3A_30 = vector.broadcast %get3A_26 : vector<128x1xf32> to vector<128x2048xf32>
      %gt3A_31 = arith.cmpf ogt, %gt3A, %gt3A_30 : vector<128x2048xf32>
      %eq3A_32 = vector.broadcast %get3A_3 : vector<1x2048xf32> to vector<128x2048xf32>
      %eq3A_33 = vector.broadcast %get3A_26 : vector<128x1xf32> to vector<128x2048xf32>
      %eq3A_34 = arith.cmpf oeq, %eq3A_32, %eq3A_33 : vector<128x2048xf32>
      %lt3A = vector.broadcast %convert_element_type3A_7 : vector<1x2048xf32> to vector<128x2048xf32>
      %lt3A_35 = vector.broadcast %get3A_29 : vector<128x1xf32> to vector<128x2048xf32>
      %lt3A_36 = arith.cmpf olt, %lt3A, %lt3A_35 : vector<128x2048xf32>
      %and3A = arith.andi %eq3A_34, %lt3A_36 : vector<128x2048xi1>
      %or3A = arith.ori %gt3A_31, %and3A : vector<128x2048xi1>
      %convert_element_type3A_37 = arith.extui %or3A : vector<128x2048xi1> to vector<128x2048xi32>
      %convert_element_type3A_38 = arith.sitofp %convert_element_type3A_37 : vector<128x2048xi32> to vector<128x2048xf32>
      %reduce_sum3A = arith.constant dense<0.000000e+00> : vector<128xf32>
      %reduce_sum3A_39 = vector.multi_reduction <add>, %convert_element_type3A_38, %reduce_sum3A [1] : vector<128x2048xf32> to vector<128xf32>
      %broadcast_in_dim3A = vector.shape_cast %reduce_sum3A_39 : vector<128xf32> to vector<128x1xf32>
      %dot_general3A = arith.constant dense<0.000000e+00> : vector<1x128xf32>
      %dot_general3A_40 = tpu.matmul %broadcast_in_dim3A, %convert_element_type3A_1, %dot_general3A {dimension_numbers = #tpu.dot_dimension_numbers<[0], [0], [1], [1], [0, 1, 1, 1], [], []>, precision = #tpu.contract_precision<fp32>, transpose_lhs_hint = false} : vector<128x1xf32>, vector<128x128xf32>, vector<1x128xf32> -> vector<1x128xf32>
      %swap3A = arith.constant 0 : index
      %swap3A_41 = arith.index_cast %mul3A_23 : i32 to index
      %swap3A_42 = vector.load %arg6[%swap3A, %swap3A_41] : memref<1x2048xf32, #tpu.memory_space<vmem>>, vector<1x128xf32>
      tpu.vector_store %arg6[%swap3A, %swap3A_41], %dot_general3A_40 {strides = array<i32>} : memref<1x2048xf32, #tpu.memory_space<vmem>>, vector<1x128xf32>,
    }
    %scan3A_11 = arith.constant 16 : i32
    %get3A_12 = arith.constant 0 : index
    %get3A_13 = arith.constant 0 : index
    %get3A_14 = vector.load %arg6[%get3A_12, %get3A_13] : memref<1x2048xf32, #tpu.memory_space<vmem>>, vector<1x2048xf32>
    %iota3A_15 = tpu.iota {dimensions = array<i32: 0>} : vector<128x1xi32>
    %convert_element_type3A_16 = arith.sitofp %iota3A_15 : vector<128x1xi32> to vector<128x1xf32>
    %scan3A_17 = arith.constant 0 : i32
    %scan3A_18 = arith.constant 16 : i32
    %scan3A_19 = arith.addi %scan3A_17, %scan3A_18 : i32
    %scan3A_20 = arith.constant 1 : i32
    scf.for %scan3A_22 = %scan3A_17 to %scan3A_19 step %scan3A_20  : i32 {
      %mul3A = arith.constant 128 : i32
      %mul3A_23 = arith.muli %scan3A_22, %mul3A : i32
      %convert_element_type3A_24 = arith.sitofp %mul3A_23 : i32 to f32
      %add3A = vector.broadcast %convert_element_type3A_24 : f32 to vector<128x1xf32>
      %add3A_25 = arith.addf %convert_element_type3A_16, %add3A : vector<128x1xf32>
      %eq3A_26 = vector.broadcast %get3A_14 : vector<1x2048xf32> to vector<128x2048xf32>
      %eq3A_27 = vector.broadcast %add3A_25 : vector<128x1xf32> to vector<128x2048xf32>
      %eq3A_28 = arith.cmpf oeq, %eq3A_26, %eq3A_27 : vector<128x2048xf32>
      %convert_element_type3A_29 = arith.extui %eq3A_28 : vector<128x2048xi1> to vector<128x2048xi32>
      %convert_element_type3A_30 = arith.sitofp %convert_element_type3A_29 : vector<128x2048xi32> to vector<128x2048xf32>
      %get3A_31 = arith.constant 0 : index
      %get3A_32 = arith.constant 0 : index
      %get3A_33 = vector.load %arg4[%get3A_31, %get3A_32] : memref<2048x8xf32, #tpu.memory_space<vmem>>, vector<2048x8xf32>
      %dot_general3A = arith.constant dense<0.000000e+00> : vector<128x8xf32>
      %dot_general3A_34 = tpu.matmul %convert_element_type3A_30, %get3A_33, %dot_general3A {dimension_numbers = #tpu.dot_dimension_numbers<[1], [0], [0], [1], [0, 0, 1, 1], [], []>, precision = #tpu.contract_precision<fp32>, transpose_lhs_hint = false} : vector<128x2048xf32>, vector<2048x8xf32>, vector<128x8xf32> -> vector<128x8xf32>
      %mul3A_35 = arith.constant 128 : i32
      %mul3A_36 = arith.muli %scan3A_22, %mul3A_35 : i32
      %swap3A = arith.index_cast %mul3A_36 : i32 to index
      %swap3A_37 = arith.constant 0 : index
      %swap3A_38 = vector.load %arg5[%swap3A, %swap3A_37] : memref<2048x8xf32, #tpu.memory_space<vmem>>, vector<128x8xf32>
      tpu.vector_store %arg5[%swap3A, %swap3A_37], %dot_general3A_34 {strides = array<i32>} : memref<2048x8xf32, #tpu.memory_space<vmem>>, vector<128x8xf32>,
    }
    %scan3A_21 = arith.constant 16 : i32
    return
  }
}

module attributes {stable_mosaic.version = 14 : i64} {
  func.func @_nms_body(%arg0: i32, %arg1: memref<1x2048xf32, #tpu.memory_space<vmem>>, %arg2: memref<1x2048xf32, #tpu.memory_space<vmem>>, %arg3: memref<1x2048xf32, #tpu.memory_space<vmem>>, %arg4: memref<1x2048xf32, #tpu.memory_space<vmem>>, %arg5: memref<2048x1xf32, #tpu.memory_space<vmem>>, %arg6: memref<2048x1xf32, #tpu.memory_space<vmem>>, %arg7: memref<2048x1xf32, #tpu.memory_space<vmem>>, %arg8: memref<2048x1xf32, #tpu.memory_space<vmem>>, %arg9: memref<1x2048xf32, #tpu.memory_space<vmem>>) attributes {dimension_semantics = [#tpu.dimension_semantics<arbitrary>], iteration_bounds = array<i64: 16>, scalar_prefetch = 0 : i64, scratch_operands = 0 : i64, tpu.core_type = #tpu.core_type<tc>, window_params = [{pipeline_mode = #tpu.pipeline_mode<synchronous>, transform_indices = @transform_0, window_bounds = array<i64: 1, 2048>}, {pipeline_mode = #tpu.pipeline_mode<synchronous>, transform_indices = @transform_1, window_bounds = array<i64: 1, 2048>}, {pipeline_mode = #tpu.pipeline_mode<synchronous>, transform_indices = @transform_2, window_bounds = array<i64: 1, 2048>}, {pipeline_mode = #tpu.pipeline_mode<synchronous>, transform_indices = @transform_3, window_bounds = array<i64: 1, 2048>}, {pipeline_mode = #tpu.pipeline_mode<synchronous>, transform_indices = @transform_4, window_bounds = array<i64: 2048, 1>}, {pipeline_mode = #tpu.pipeline_mode<synchronous>, transform_indices = @transform_5, window_bounds = array<i64: 2048, 1>}, {pipeline_mode = #tpu.pipeline_mode<synchronous>, transform_indices = @transform_6, window_bounds = array<i64: 2048, 1>}, {pipeline_mode = #tpu.pipeline_mode<synchronous>, transform_indices = @transform_7, window_bounds = array<i64: 2048, 1>}, {pipeline_mode = #tpu.pipeline_mode<synchronous>, transform_indices = @transform_8, window_bounds = array<i64: 1, 2048>}]} {
    %eq3A = arith.constant 0 : i32
    %eq3A_0 = arith.cmpi eq, %arg0, %eq3A : i32
    %convert_element_type3A = arith.extui %eq3A_0 : i1 to i32
    %cond3A = arith.constant 0 : i32
    %cond3A_1 = arith.cmpi ne, %convert_element_type3A, %cond3A : i32
    scf.if %cond3A_1 {
      %broadcast_in_dim3A_158 = arith.constant 0.000000e+00 : f32
      %broadcast_in_dim3A_159 = vector.broadcast %broadcast_in_dim3A_158 : f32 to vector<1x2048xf32>
      %swap3A_160 = arith.constant 0 : index
      %swap3A_161 = arith.constant 0 : index
      %swap3A_162 = vector.load %arg9[%swap3A_160, %swap3A_161] : memref<1x2048xf32, #tpu.memory_space<vmem>>, vector<1x2048xf32>
      tpu.vector_store %arg9[%swap3A_160, %swap3A_161], %broadcast_in_dim3A_159 {strides = array<i32>} : memref<1x2048xf32, #tpu.memory_space<vmem>>, vector<1x2048xf32>,
    } else {
    }
    %iota3A = tpu.iota {dimensions = array<i32: 0>} : vector<128x128xi32>
    %iota3A_2 = tpu.iota {dimensions = array<i32: 1>} : vector<128x128xi32>
    %eq3A_3 = arith.cmpi eq, %iota3A, %iota3A_2 : vector<128x128xi32>
    %convert_element_type3A_4 = arith.extui %eq3A_3 : vector<128x128xi1> to vector<128x128xi32>
    %convert_element_type3A_5 = arith.sitofp %convert_element_type3A_4 : vector<128x128xi32> to vector<128x128xf32>
    %lt3A = arith.cmpi slt, %iota3A, %iota3A_2 : vector<128x128xi32>
    %convert_element_type3A_6 = arith.extui %lt3A : vector<128x128xi1> to vector<128x128xi32>
    %convert_element_type3A_7 = arith.sitofp %convert_element_type3A_6 : vector<128x128xi32> to vector<128x128xf32>
    %gt3A = arith.cmpi sgt, %iota3A, %iota3A_2 : vector<128x128xi32>
    %convert_element_type3A_8 = arith.extui %gt3A : vector<128x128xi1> to vector<128x128xi32>
    %convert_element_type3A_9 = arith.sitofp %convert_element_type3A_8 : vector<128x128xi32> to vector<128x128xf32>
    %mul3A = arith.constant 128 : i32
    %mul3A_10 = arith.muli %arg0, %mul3A : i32
    %get3A = arith.constant 0 : index
    %get3A_11 = arith.index_cast %mul3A_10 : i32 to index
    %get3A_12 = vector.load %arg1[%get3A, %get3A_11] : memref<1x2048xf32, #tpu.memory_space<vmem>>, vector<1x128xf32>
    %get3A_13 = arith.constant 0 : index
    %get3A_14 = arith.index_cast %mul3A_10 : i32 to index
    %get3A_15 = vector.load %arg2[%get3A_13, %get3A_14] : memref<1x2048xf32, #tpu.memory_space<vmem>>, vector<1x128xf32>
    %get3A_16 = arith.constant 0 : index
    %get3A_17 = arith.index_cast %mul3A_10 : i32 to index
    %get3A_18 = vector.load %arg3[%get3A_16, %get3A_17] : memref<1x2048xf32, #tpu.memory_space<vmem>>, vector<1x128xf32>
    %get3A_19 = arith.constant 0 : index
    %get3A_20 = arith.index_cast %mul3A_10 : i32 to index
    %get3A_21 = vector.load %arg4[%get3A_19, %get3A_20] : memref<1x2048xf32, #tpu.memory_space<vmem>>, vector<1x128xf32>
    %get3A_22 = arith.index_cast %mul3A_10 : i32 to index
    %get3A_23 = arith.constant 0 : index
    %get3A_24 = vector.load %arg5[%get3A_22, %get3A_23] : memref<2048x1xf32, #tpu.memory_space<vmem>>, vector<128x1xf32>
    %get3A_25 = arith.index_cast %mul3A_10 : i32 to index
    %get3A_26 = arith.constant 0 : index
    %get3A_27 = vector.load %arg6[%get3A_25, %get3A_26] : memref<2048x1xf32, #tpu.memory_space<vmem>>, vector<128x1xf32>
    %get3A_28 = arith.index_cast %mul3A_10 : i32 to index
    %get3A_29 = arith.constant 0 : index
    %get3A_30 = vector.load %arg7[%get3A_28, %get3A_29] : memref<2048x1xf32, #tpu.memory_space<vmem>>, vector<128x1xf32>
    %get3A_31 = arith.index_cast %mul3A_10 : i32 to index
    %get3A_32 = arith.constant 0 : index
    %get3A_33 = vector.load %arg8[%get3A_31, %get3A_32] : memref<2048x1xf32, #tpu.memory_space<vmem>>, vector<128x1xf32>
    %sub3A = arith.subf %get3A_30, %get3A_24 : vector<128x1xf32>
    %sub3A_34 = arith.subf %get3A_33, %get3A_27 : vector<128x1xf32>
    %mul3A_35 = arith.mulf %sub3A, %sub3A_34 : vector<128x1xf32>
    %sub3A_36 = arith.subf %get3A_18, %get3A_12 : vector<1x128xf32>
    %sub3A_37 = arith.subf %get3A_21, %get3A_15 : vector<1x128xf32>
    %mul3A_38 = arith.mulf %sub3A_36, %sub3A_37 : vector<1x128xf32>
    %get3A_39 = arith.constant 0 : index
    %get3A_40 = arith.constant 0 : index
    %get3A_41 = vector.load %arg1[%get3A_39, %get3A_40] : memref<1x2048xf32, #tpu.memory_space<vmem>>, vector<1x2048xf32>
    %get3A_42 = arith.constant 0 : index
    %get3A_43 = arith.constant 0 : index
    %get3A_44 = vector.load %arg2[%get3A_42, %get3A_43] : memref<1x2048xf32, #tpu.memory_space<vmem>>, vector<1x2048xf32>
    %get3A_45 = arith.constant 0 : index
    %get3A_46 = arith.constant 0 : index
    %get3A_47 = vector.load %arg3[%get3A_45, %get3A_46] : memref<1x2048xf32, #tpu.memory_space<vmem>>, vector<1x2048xf32>
    %get3A_48 = arith.constant 0 : index
    %get3A_49 = arith.constant 0 : index
    %get3A_50 = vector.load %arg4[%get3A_48, %get3A_49] : memref<1x2048xf32, #tpu.memory_space<vmem>>, vector<1x2048xf32>
    %sub3A_51 = arith.subf %get3A_47, %get3A_41 : vector<1x2048xf32>
    %sub3A_52 = arith.subf %get3A_50, %get3A_44 : vector<1x2048xf32>
    %mul3A_53 = arith.mulf %sub3A_51, %sub3A_52 : vector<1x2048xf32>
    %min3A = vector.broadcast %get3A_30 : vector<128x1xf32> to vector<128x2048xf32>
    %min3A_54 = vector.broadcast %get3A_47 : vector<1x2048xf32> to vector<128x2048xf32>
    %min3A_55 = arith.minimumf %min3A, %min3A_54 : vector<128x2048xf32>
    %max3A = vector.broadcast %get3A_24 : vector<128x1xf32> to vector<128x2048xf32>
    %max3A_56 = vector.broadcast %get3A_41 : vector<1x2048xf32> to vector<128x2048xf32>
    %max3A_57 = arith.maximumf %max3A, %max3A_56 : vector<128x2048xf32>
    %sub3A_58 = arith.subf %min3A_55, %max3A_57 : vector<128x2048xf32>
    %max3A_59 = arith.constant 0.000000e+00 : f32
    %max3A_60 = vector.broadcast %max3A_59 : f32 to vector<128x2048xf32>
    %max3A_61 = arith.maximumf %sub3A_58, %max3A_60 : vector<128x2048xf32>
    %min3A_62 = vector.broadcast %get3A_33 : vector<128x1xf32> to vector<128x2048xf32>
    %min3A_63 = vector.broadcast %get3A_50 : vector<1x2048xf32> to vector<128x2048xf32>
    %min3A_64 = arith.minimumf %min3A_62, %min3A_63 : vector<128x2048xf32>
    %max3A_65 = vector.broadcast %get3A_27 : vector<128x1xf32> to vector<128x2048xf32>
    %max3A_66 = vector.broadcast %get3A_44 : vector<1x2048xf32> to vector<128x2048xf32>
    %max3A_67 = arith.maximumf %max3A_65, %max3A_66 : vector<128x2048xf32>
    %sub3A_68 = arith.subf %min3A_64, %max3A_67 : vector<128x2048xf32>
    %max3A_69 = arith.constant 0.000000e+00 : f32
    %max3A_70 = vector.broadcast %max3A_69 : f32 to vector<128x2048xf32>
    %max3A_71 = arith.maximumf %sub3A_68, %max3A_70 : vector<128x2048xf32>
    %mul3A_72 = arith.mulf %max3A_61, %max3A_71 : vector<128x2048xf32>
    %add3A = vector.broadcast %mul3A_35 : vector<128x1xf32> to vector<128x2048xf32>
    %add3A_73 = vector.broadcast %mul3A_53 : vector<1x2048xf32> to vector<128x2048xf32>
    %add3A_74 = arith.addf %add3A, %add3A_73 : vector<128x2048xf32>
    %sub3A_75 = arith.subf %add3A_74, %mul3A_72 : vector<128x2048xf32>
    %max3A_76 = arith.constant 9.99999971E-10 : f32
    %max3A_77 = vector.broadcast %max3A_76 : f32 to vector<128x2048xf32>
    %max3A_78 = arith.maximumf %sub3A_75, %max3A_77 : vector<128x2048xf32>
    %mul3A_79 = arith.constant 0.699999988 : f32
    %mul3A_80 = vector.broadcast %mul3A_79 : f32 to vector<128x2048xf32>
    %mul3A_81 = arith.mulf %mul3A_80, %max3A_78 : vector<128x2048xf32>
    %gt3A_82 = arith.cmpf ogt, %mul3A_72, %mul3A_81 : vector<128x2048xf32>
    %iota3A_83 = tpu.iota {dimensions = array<i32: 1>} : vector<1x2048xi32>
    %mul3A_84 = arith.constant 128 : i32
    %mul3A_85 = arith.muli %arg0, %mul3A_84 : i32
    %lt3A_86 = vector.broadcast %mul3A_85 : i32 to vector<1x2048xi32>
    %lt3A_87 = arith.cmpi slt, %iota3A_83, %lt3A_86 : vector<1x2048xi32>
    %get3A_88 = arith.constant 0 : index
    %get3A_89 = arith.constant 0 : index
    %get3A_90 = vector.load %arg9[%get3A_88, %get3A_89] : memref<1x2048xf32, #tpu.memory_space<vmem>>, vector<1x2048xf32>
    %gt3A_91 = arith.constant 5.000000e-01 : f32
    %gt3A_92 = vector.broadcast %gt3A_91 : f32 to vector<1x2048xf32>
    %gt3A_93 = arith.cmpf ogt, %get3A_90, %gt3A_92 : vector<1x2048xf32>
    %and3A = arith.andi %lt3A_87, %gt3A_93 : vector<1x2048xi1>
    %and3A_94 = vector.broadcast %and3A : vector<1x2048xi1> to vector<128x2048xi1>
    %and3A_95 = arith.andi %gt3A_82, %and3A_94 : vector<128x2048xi1>
    %reduce_or3A = arith.constant 1.000000e+00 : f32
    %reduce_or3A_96 = arith.constant 0.000000e+00 : f32
    %reduce_or3A_97 = vector.broadcast %reduce_or3A : f32 to vector<128x2048xf32>
    %reduce_or3A_98 = vector.broadcast %reduce_or3A_96 : f32 to vector<128x2048xf32>
    %reduce_or3A_99 = arith.select %and3A_95, %reduce_or3A_97, %reduce_or3A_98 : vector<128x2048xi1>, vector<128x2048xf32>
    %reduce_or3A_100 = arith.constant dense<0xFF800000> : vector<128xf32>
    %reduce_or3A_101 = vector.multi_reduction <maximumf>, %reduce_or3A_99, %reduce_or3A_100 [1] : vector<128x2048xf32> to vector<128xf32>
    %reduce_or3A_102 = arith.constant 0.000000e+00 : f32
    %reduce_or3A_103 = vector.broadcast %reduce_or3A_102 : f32 to vector<128xf32>
    %reduce_or3A_104 = arith.cmpf ogt, %reduce_or3A_101, %reduce_or3A_103 : vector<128xf32>
    %broadcast_in_dim3A = vector.shape_cast %reduce_or3A_104 : vector<128xi1> to vector<128x1xi1>
    %jit3A = arith.constant 0.000000e+00 : f32
    %jit3A_105 = arith.constant 1.000000e+00 : f32
    %broadcast_in_dim3A_106 = vector.broadcast %jit3A : f32 to vector<128x1xf32>
    %broadcast_in_dim3A_107 = vector.broadcast %jit3A_105 : f32 to vector<128x1xf32>
    %select_n3A = arith.select %broadcast_in_dim3A, %broadcast_in_dim3A_106, %broadcast_in_dim3A_107 : vector<128x1xi1>, vector<128x1xf32>
    %dot_general3A = arith.constant dense<0.000000e+00> : vector<1x128xf32>
    %dot_general3A_108 = tpu.matmul %select_n3A, %convert_element_type3A_5, %dot_general3A {dimension_numbers = #tpu.dot_dimension_numbers<[0], [0], [1], [1], [0, 1, 1, 1], [], []>, precision = #tpu.contract_precision<fp32>, transpose_lhs_hint = false} : vector<128x1xf32>, vector<128x128xf32>, vector<1x128xf32> -> vector<1x128xf32>
    %min3A_109 = vector.broadcast %get3A_30 : vector<128x1xf32> to vector<128x128xf32>
    %min3A_110 = vector.broadcast %get3A_18 : vector<1x128xf32> to vector<128x128xf32>
    %min3A_111 = arith.minimumf %min3A_109, %min3A_110 : vector<128x128xf32>
    %max3A_112 = vector.broadcast %get3A_24 : vector<128x1xf32> to vector<128x128xf32>
    %max3A_113 = vector.broadcast %get3A_12 : vector<1x128xf32> to vector<128x128xf32>
    %max3A_114 = arith.maximumf %max3A_112, %max3A_113 : vector<128x128xf32>
    %sub3A_115 = arith.subf %min3A_111, %max3A_114 : vector<128x128xf32>
    %max3A_116 = arith.constant 0.000000e+00 : f32
    %max3A_117 = vector.broadcast %max3A_116 : f32 to vector<128x128xf32>
    %max3A_118 = arith.maximumf %sub3A_115, %max3A_117 : vector<128x128xf32>
    %min3A_119 = vector.broadcast %get3A_33 : vector<128x1xf32> to vector<128x128xf32>
    %min3A_120 = vector.broadcast %get3A_21 : vector<1x128xf32> to vector<128x128xf32>
    %min3A_121 = arith.minimumf %min3A_119, %min3A_120 : vector<128x128xf32>
    %max3A_122 = vector.broadcast %get3A_27 : vector<128x1xf32> to vector<128x128xf32>
    %max3A_123 = vector.broadcast %get3A_15 : vector<1x128xf32> to vector<128x128xf32>
    %max3A_124 = arith.maximumf %max3A_122, %max3A_123 : vector<128x128xf32>
    %sub3A_125 = arith.subf %min3A_121, %max3A_124 : vector<128x128xf32>
    %max3A_126 = arith.constant 0.000000e+00 : f32
    %max3A_127 = vector.broadcast %max3A_126 : f32 to vector<128x128xf32>
    %max3A_128 = arith.maximumf %sub3A_125, %max3A_127 : vector<128x128xf32>
    %mul3A_129 = arith.mulf %max3A_118, %max3A_128 : vector<128x128xf32>
    %add3A_130 = vector.broadcast %mul3A_35 : vector<128x1xf32> to vector<128x128xf32>
    %add3A_131 = vector.broadcast %mul3A_38 : vector<1x128xf32> to vector<128x128xf32>
    %add3A_132 = arith.addf %add3A_130, %add3A_131 : vector<128x128xf32>
    %sub3A_133 = arith.subf %add3A_132, %mul3A_129 : vector<128x128xf32>
    %max3A_134 = arith.constant 9.99999971E-10 : f32
    %max3A_135 = vector.broadcast %max3A_134 : f32 to vector<128x128xf32>
    %max3A_136 = arith.maximumf %sub3A_133, %max3A_135 : vector<128x128xf32>
    %mul3A_137 = arith.constant 0.699999988 : f32
    %mul3A_138 = vector.broadcast %mul3A_137 : f32 to vector<128x128xf32>
    %mul3A_139 = arith.mulf %mul3A_138, %max3A_136 : vector<128x128xf32>
    %gt3A_140 = arith.cmpf ogt, %mul3A_129, %mul3A_139 : vector<128x128xf32>
    %convert_element_type3A_141 = arith.extui %gt3A_140 : vector<128x128xi1> to vector<128x128xi32>
    %convert_element_type3A_142 = arith.sitofp %convert_element_type3A_141 : vector<128x128xi32> to vector<128x128xf32>
    %mul3A_143 = vector.broadcast %select_n3A : vector<128x1xf32> to vector<128x128xf32>
    %mul3A_144 = arith.mulf %convert_element_type3A_142, %mul3A_143 : vector<128x128xf32>
    %mul3A_145 = arith.mulf %mul3A_144, %convert_element_type3A_7 : vector<128x128xf32>
    %mul3A_146 = vector.broadcast %dot_general3A_108 : vector<1x128xf32> to vector<128x128xf32>
    %mul3A_147 = arith.mulf %convert_element_type3A_142, %mul3A_146 : vector<128x128xf32>
    %mul3A_148 = arith.mulf %mul3A_147, %convert_element_type3A_9 : vector<128x128xf32>
    %broadcast_in_dim3A_149 = arith.constant 1.000000e+00 : f32
    %broadcast_in_dim3A_150 = vector.broadcast %broadcast_in_dim3A_149 : f32 to vector<128x1xf32>
    %broadcast_in_dim3A_151 = arith.constant 1.000000e+00 : f32
    %broadcast_in_dim3A_152 = vector.broadcast %broadcast_in_dim3A_151 : f32 to vector<1x128xf32>
    %while3A = arith.constant 0 : i32
    %while3A_153 = arith.constant true
    %while3A_154:4 = scf.while (%while3A_158 = %while3A, %while3A_159 = %while3A_153, %while3A_160 = %broadcast_in_dim3A_150, %while3A_161 = %broadcast_in_dim3A_152) : (i32, i1, vector<128x1xf32>, vector<1x128xf32>) -> (i32, i1, vector<128x1xf32>, vector<1x128xf32>) {
      %lt3A_162 = arith.constant 66 : i32
      %lt3A_163 = arith.cmpi slt, %while3A_158, %lt3A_162 : i32
      %and3A_164 = arith.andi %while3A_159, %lt3A_163 : i1
      scf.condition(%and3A_164) %while3A_158, %while3A_159, %while3A_160, %while3A_161 : i32, i1, vector<128x1xf32>, vector<1x128xf32>
    } do {
    ^bb0(%while3A_158: i32, %while3A_159: i1, %while3A_160: vector<128x1xf32>, %while3A_161: vector<1x128xf32>):
      %mul3A_162 = vector.broadcast %while3A_160 : vector<128x1xf32> to vector<128x128xf32>
      %mul3A_163 = arith.mulf %mul3A_145, %mul3A_162 : vector<128x128xf32>
      %reduce_max3A = arith.constant dense<0xFF800000> : vector<128xf32>
      %reduce_max3A_164 = vector.multi_reduction <maximumf>, %mul3A_163, %reduce_max3A [0] : vector<128x128xf32> to vector<128xf32>
      %broadcast_in_dim3A_165 = vector.shape_cast %reduce_max3A_164 : vector<128xf32> to vector<1x128xf32>
      %sub3A_166 = arith.constant 1.000000e+00 : f32
      %sub3A_167 = vector.broadcast %sub3A_166 : f32 to vector<1x128xf32>
      %sub3A_168 = arith.subf %sub3A_167, %broadcast_in_dim3A_165 : vector<1x128xf32>
      %mul3A_169 = vector.broadcast %sub3A_168 : vector<1x128xf32> to vector<128x128xf32>
      %mul3A_170 = arith.mulf %mul3A_148, %mul3A_169 : vector<128x128xf32>
      %reduce_max3A_171 = arith.constant dense<0xFF800000> : vector<128xf32>
      %reduce_max3A_172 = vector.multi_reduction <maximumf>, %mul3A_170, %reduce_max3A_171 [1] : vector<128x128xf32> to vector<128xf32>
      %broadcast_in_dim3A_173 = vector.shape_cast %reduce_max3A_172 : vector<128xf32> to vector<128x1xf32>
      %sub3A_174 = arith.constant 1.000000e+00 : f32
      %sub3A_175 = vector.broadcast %sub3A_174 : f32 to vector<128x1xf32>
      %sub3A_176 = arith.subf %sub3A_175, %broadcast_in_dim3A_173 : vector<128x1xf32>
      %ne3A = arith.cmpf one, %sub3A_176, %while3A_160 : vector<128x1xf32>
      %reduce_or3A_177 = arith.constant 1.000000e+00 : f32
      %reduce_or3A_178 = arith.constant 0.000000e+00 : f32
      %reduce_or3A_179 = vector.broadcast %reduce_or3A_177 : f32 to vector<128x1xf32>
      %reduce_or3A_180 = vector.broadcast %reduce_or3A_178 : f32 to vector<128x1xf32>
      %reduce_or3A_181 = arith.select %ne3A, %reduce_or3A_179, %reduce_or3A_180 : vector<128x1xi1>, vector<128x1xf32>
      %reduce_or3A_182 = vector.shape_cast %reduce_or3A_181 : vector<128x1xf32> to vector<1x128x1xf32>
      %reduce_or3A_183 = arith.constant dense<0xFF800000> : vector<1xf32>
      %reduce_or3A_184 = vector.multi_reduction <maximumf>, %reduce_or3A_182, %reduce_or3A_183 [1, 2] : vector<1x128x1xf32> to vector<1xf32>
      %reduce_or3A_185 = vector.shape_cast %reduce_or3A_184 : vector<1xf32> to vector<1x1x1xf32>
      %reduce_or3A_186 = vector.extract %reduce_or3A_185[0, 0, 0] : f32 from vector<1x1x1xf32>
      %reduce_or3A_187 = arith.constant 0.000000e+00 : f32
      %reduce_or3A_188 = arith.cmpf ogt, %reduce_or3A_186, %reduce_or3A_187 : f32
      %add3A_189 = arith.constant 1 : i32
      %add3A_190 = arith.addi %while3A_158, %add3A_189 : i32
      scf.yield %add3A_190, %reduce_or3A_188, %sub3A_176, %sub3A_168 : i32, i1, vector<128x1xf32>, vector<1x128xf32>
    }
    %mul3A_155 = arith.mulf %dot_general3A_108, %while3A_154#3 : vector<1x128xf32>
    %swap3A = arith.constant 0 : index
    %swap3A_156 = arith.index_cast %mul3A_10 : i32 to index
    %swap3A_157 = vector.load %arg9[%swap3A, %swap3A_156] : memref<1x2048xf32, #tpu.memory_space<vmem>>, vector<1x128xf32>
    tpu.vector_store %arg9[%swap3A, %swap3A_156], %mul3A_155 {strides = array<i32>} : memref<1x2048xf32, #tpu.memory_space<vmem>>, vector<1x128xf32>,
    return
  }
  func.func @transform_0(%arg0: i32) -> (i32, i32) {
    %c0_i32 = arith.constant 0 : i32
    %c0_i32_0 = arith.constant 0 : i32
    %c0_i32_1 = arith.constant 0 : i32
    return %c0_i32, %c0_i32_0 : i32, i32
  }
  func.func @transform_1(%arg0: i32) -> (i32, i32) {
    %c0_i32 = arith.constant 0 : i32
    %c0_i32_0 = arith.constant 0 : i32
    %c0_i32_1 = arith.constant 0 : i32
    return %c0_i32, %c0_i32_0 : i32, i32
  }
  func.func @transform_2(%arg0: i32) -> (i32, i32) {
    %c0_i32 = arith.constant 0 : i32
    %c0_i32_0 = arith.constant 0 : i32
    %c0_i32_1 = arith.constant 0 : i32
    return %c0_i32, %c0_i32_0 : i32, i32
  }
  func.func @transform_3(%arg0: i32) -> (i32, i32) {
    %c0_i32 = arith.constant 0 : i32
    %c0_i32_0 = arith.constant 0 : i32
    %c0_i32_1 = arith.constant 0 : i32
    return %c0_i32, %c0_i32_0 : i32, i32
  }
  func.func @transform_4(%arg0: i32) -> (i32, i32) {
    %c0_i32 = arith.constant 0 : i32
    %c0_i32_0 = arith.constant 0 : i32
    %c0_i32_1 = arith.constant 0 : i32
    return %c0_i32, %c0_i32_0 : i32, i32
  }
  func.func @transform_5(%arg0: i32) -> (i32, i32) {
    %c0_i32 = arith.constant 0 : i32
    %c0_i32_0 = arith.constant 0 : i32
    %c0_i32_1 = arith.constant 0 : i32
    return %c0_i32, %c0_i32_0 : i32, i32
  }
  func.func @transform_6(%arg0: i32) -> (i32, i32) {
    %c0_i32 = arith.constant 0 : i32
    %c0_i32_0 = arith.constant 0 : i32
    %c0_i32_1 = arith.constant 0 : i32
    return %c0_i32, %c0_i32_0 : i32, i32
  }
  func.func @transform_7(%arg0: i32) -> (i32, i32) {
    %c0_i32 = arith.constant 0 : i32
    %c0_i32_0 = arith.constant 0 : i32
    %c0_i32_1 = arith.constant 0 : i32
    return %c0_i32, %c0_i32_0 : i32, i32
  }
  func.func @transform_8(%arg0: i32) -> (i32, i32) {
    %c0_i32 = arith.constant 0 : i32
    %c0_i32_0 = arith.constant 0 : i32
    %c0_i32_1 = arith.constant 0 : i32
    return %c0_i32, %c0_i32_0 : i32, i32
  }
}

</mosaic_0001>

<sc_bundles>
// kernel: kernel.7.cloned.1.call-start
scs
__scs_entry_jumppad:
0x0: {  	(pc) =	sbr.rel $0x88, $3  }
0x1: {  	(tag) =	ssettag $0x0;
	lr =	simm.s32 $0x1  }
0x2: {  	[smem:$0x3F9E] =	sst lr;
	_ =	strace $0xD0000000  }
0x3: {  	_ = 	snop  }
0x4: {  	_ = 	snop  }
0x5: {  	_ = 	snop  }
0x6: {  	_ = 	snop  }
0x7: {  	_ = 	snop  }
__scs_overlays_trampoline_lowered:
0x8: {  	[smem:$0x3FAD] =	sst s0  }
0x9: {  	[smem:$0x3FAE] =	sst s1  }
0xa: {  	[smem:$0x3FAF] =	sst s2  }
0xb: {  	[smem:$0x3FB0] =	sst s3  }
0xc: {  	[smem:$0x3FB1] =	sst s4  }
0xd: {  	[smem:$0x3FB2] =	sst s5  }
0xe: {  	[smem:$0x3FB3] =	sst s6  }
0xf: {  	[smem:$0x3FB4] =	sst s7  }
0x10: {  	[smem:$0x3FB5] =	sst s8  }
0x11: {  	[smem:$0x3FB6] =	sst s9;
	s0 =	simm.s32 @!p0 $0x0  }
0x12: {  	s1 =	sld [smem:$0x3F9C];
	s0 =	simm.s32 @p0 $0x1  }
0x13: {  	[smem:$0x3FB7] =	sst s0;
	s0 =	simm.s32 @!p1 $0x0  }
0x14: {  	s2 =	sld [smem:$0x3F9B];
	s0 =	simm.s32 @p1 $0x1  }
0x15: {  	[smem:$0x3FB8] =	sst s0;
	s0 =	simm.s32 @!p2 $0x0  }
0x16: {  	s3 =	sld [smem:$0x3FDB];
	s0 =	simm.s32 @p2 $0x1  }
0x17: {  	s4 =	simm.s32 $0x1BF5;
	[smem:$0x3FBA] =	sst s0  }
0x18: {  	s0 =	sld [smem:$0x3F9D];
	_ =	swait.ge [sflag:s4], $0x0  }
0x19: {  	s7 =	sld [smem:$0x3F9E]  }
0x1a: {  	s8 =	sadd.s32 $0xFFFFE003, lr  }
0x1b: {  	s9 =	sadd.s32 $0xFFFFFEF7, lr;
	s5 =	simm.s32 $0xFFFFFFFF;
	p2 =	slt.u32 s8, $0xFFFFF086  }
0x1c: {  	p1 =	slt.u32 s9, $0xF7A;
	s5 =	simm.s32 @!p2 $0x0  }
0x1d: {  	s5 =	simm.s32 @p1 $0x1;
	p0 =	seq.s32 s7, s2  }
0x1e: {  	s7 =	smul.u32 @!p0 $0xF7A, s2;
	p2 =	seq.s32 @!p0 s5, $0x0  }
0x1f: {  	s9 =	smul.u32 $0xF7A, s1;
	s8 =	simm.s32 @!p0 $0x1BF5;
	p2 =	por !p2, p0  }
0x20: {  	[sflag:s8] =	ssyncset.s32 @!p0 $0xFFFFF086;
	s6 =	sadd.s32 @!p0 s3, s7;
	s7 =	simm.s32 @!p0 $0x108  }
0x21: {  	s3 =	sadd.s32 s3, s9;
	s6 =	sadd.s32 @!p0 $0x88, s6;
	s7 =	simm.s32 @p2 $0x1082  }
0x22: {  	[simem:s7], [sflag:s8] =	dma.local @!p0 [hbm:s6], $0xF7A  }
0x23: {  	s9 =	sor.u32 $0xD0000000, s2;
	s6 =	simm.s32 $0x108;
	_ =	swait.ge @!p0 [sflag:s8], $0x0  }
0x24: {  	s3 =	sadd.s32 $0x88, s3;
	s6 =	simm.s32 @!p1 $0x1082;
	[sflag:s4] =	ssyncset.s32 $0xFFFFF086  }
0x25: {  	[simem:s6], [sflag:s4] =	dma.local [hbm:s3], $0xF7A  }
0x26: {  	[smem:$0x3F9E] =	sst s1;
	(tag) =	ssettag s2;
	_ =	strace s9  }
0x27: {  	s1 =	sld [smem:$0x3FAE]  }
0x28: {  	s2 =	sld [smem:$0x3FAF]  }
0x29: {  	s4 =	sld [smem:$0x3FB1]  }
0x2a: {  	p0 =	seq.s32 s5, $0x0;
	s5 =	sld [smem:$0x3FB2]  }
0x2b: {  	s6 =	sld [smem:$0x3FB3]  }
0x2c: {  	s7 =	sld [smem:$0x3FB4]  }
0x2d: {  	s3 =	simm.s32 $0x108;
	s8 =	sld [smem:$0x3FB5]  }
0x2e: {  	s3 =	simm.s32 @!p0 $0x1082;
	s9 =	sld [smem:$0x3FB6]  }
0x2f: {  	lr =	sadd.s32 s0, s3;
	s0 =	sld [smem:$0x3FAD]  }
0x30: {  	s3 =	sld [smem:$0x3FB0]  }
0x31: {  	[smem:$0x3FB9] =	sst s10  }
0x32: {  	s10 =	sld [smem:$0x3FB7];
	_ =	sdelay $0x3  }
0x33: {  	p0 =	seq.s32 s10, $0x1;
	s10 =	sld [smem:$0x3FB9];
	_ =	sdelay $0x3  }
0x34: {  	[smem:$0x3FB9] =	sst s10  }
0x35: {  	s10 =	sld [smem:$0x3FB8];
	_ =	sdelay $0x3  }
0x36: {  	p1 =	seq.s32 s10, $0x1;
	s10 =	sld [smem:$0x3FB9];
	_ =	sdelay $0x3  }
0x37: {  	[smem:$0x3FB9] =	sst s10  }
0x38: {  	s10 =	sld [smem:$0x3FBA]  }
0x39: {  	_ = 	snop;
	(pc) =	sbr.ind lr, $3  }
0x3a: {  	_ = 	snop  }
0x3b: {  	_ = 	snop  }
0x3c: {  	p2 =	seq.s32 s10, $0x1;
	s10 =	sld [smem:$0x3FB9]  }
0x3d: {  	_ =	shalt  }
0x3e: {  	_ =	shalt  }
0x3f: {  	_ =	shalt  }
0x40: {  	_ =	shalt  }
0x41: {  	_ =	shalt  }
0x42: {  	_ =	shalt  }
0x43: {  	_ =	shalt  }
0x44: {  	_ =	shalt  }
0x45: {  	_ =	shalt  }
0x46: {  	_ =	shalt  }
0x47: {  	_ =	shalt  }
0x48: {  	_ =	shalt  }
0x49: {  	_ =	shalt  }
0x4a: {  	_ =	shalt  }
0x4b: {  	_ =	shalt  }
0x4c: {  	_ =	shalt  }
0x4d: {  	_ =	shalt  }
0x4e: {  	_ =	shalt  }
0x4f: {  	_ =	shalt  }
0x50: {  	_ =	shalt  }
0x51: {  	_ =	shalt  }
0x52: {  	_ =	shalt  }
0x53: {  	_ =	shalt  }
0x54: {  	_ =	shalt  }
0x55: {  	_ =	shalt  }
0x56: {  	_ =	shalt  }
0x57: {  	_ =	shalt  }
0x58: {  	_ =	shalt  }
0x59: {  	_ =	shalt  }
0x5a: {  	_ =	shalt  }
0x5b: {  	_ =	shalt  }
0x5c: {  	_ =	shalt  }
0x5d: {  	_ =	shalt  }
0x5e: {  	_ =	shalt  }
0x5f: {  	_ =	shalt  }
0x60: {  	_ =	shalt  }
0x61: {  	_ =	shalt  }
0x62: {  	_ =	shalt  }
0x63: {  	_ =	shalt  }
0x64: {  	_ =	shalt  }
0x65: {  	_ =	shalt  }
0x66: {  	_ =	shalt  }
0x67: {  	_ =	shalt  }
0x68: {  	_ =	shalt  }
0x69: {  	_ =	shalt  }
0x6a: {  	_ =	shalt  }
0x6b: {  	_ =	shalt  }
0x6c: {  	_ =	shalt  }
0x6d: {  	_ =	shalt  }
0x6e: {  	_ =	shalt  }
0x6f: {  	_ =	shalt  }
0x70: {  	_ =	shalt  }
0x71: {  	_ =	shalt  }
0x72: {  	_ =	shalt  }
0x73: {  	_ =	shalt  }
0x74: {  	_ =	shalt  }
0x75: {  	_ =	shalt  }
0x76: {  	_ =	shalt  }
0x77: {  	_ =	shalt  }
0x78: {  	_ =	shalt  }
0x79: {  	_ =	shalt  }
0x7a: {  	_ =	shalt  }
0x7b: {  	_ =	shalt  }
0x7c: {  	_ =	shalt  }
0x7d: {  	_ =	shalt  }
0x7e: {  	_ =	shalt  }
0x7f: {  	_ =	shalt  }
0x80: {  	_ =	shalt  }
0x81: {  	_ =	shalt  }
0x82: {  	_ =	shalt  }
0x83: {  	_ =	shalt  }
0x84: {  	_ =	shalt  }
0x85: {  	_ =	shalt  }
0x86: {  	_ =	shalt  }
0x87: {  	_ =	shalt  }
.Lfunc_end0:
.L_simem_size_0:
called_computation_lowered:
.L_overlay_start_0:
0x88: {  	s0 =	sld [smem:$0x3FD9]  }
0x89: {  	s1 =	sld [smem:$0x3FFE];
	_ =	sdelay $0x3  }
0x8a: {  	s0 =	sadd.s32 s1, s0  }
0x8b: {  	[smem:$0x3FC5] =	sst s0  }
0x8c: {  	_ = 	snop  }
0x8d: {  	s0 =	sld [smem:$0x3FD0];
	_ =	sdelay $0x2  }
0x8e: {  	s13 =	simm.s32 $0xA;
	s2 =	simm.s32 $0x10  }
0x8f: {  	[smem:s2], [sflag:s13] =	dma.local [hbm:s0], $0x1  }
0x90: {  	_ =	swait.eq [sflag:s13], $0x1  }
0x91: {  	[sflag:s13] =	ssyncset.done $0x0  }
0x92: {  	s14 =	sld [smem:$0x10];
	[sflag:s13] =	ssyncadd.s32 $0xFFFFFFFF  }
0x93: {  	s15 =	sld [smem:$0x11];
	(tm) =	ssettm $0x1  }
0x94: {  	s16 =	sld [smem:$0x3FFB];
	_ =	sdelay $0x3  }
0x95: {  	_ =	strace s16  }
0x96: {  	s2 =	sld [smem:$0x3FFC];
	_ =	sdelay $0x3  }
0x97: {  	_ =	strace s2  }
0x98: {  	s2 =	sld [smem:$0x3FFD];
	_ =	sdelay $0x3  }
0x99: {  	_ =	strace s2  }
0x9a: {  	_ =	strace $0x8FFFFFFF  }
0x9b: {  	s17 =	sld [smem:$0x3FDB];
	_ =	sdelay $0x1  }
0x9c: {  	s3 =	simm.s32 $_scs_section_size  }
0x9d: {  	s4 =	simm.s32 $_size__tile_overlayer_lowered;
	s5 =	simm.s32 $_tile_overlayer_lowered  }
0x9e: {  	s20 =	simm.s32 $0x1BFF;
	s19 =	sshll.u32 s5, $0x1;
	s2 =	sadd.s32 s3, s17  }
0x9f: {  	s6 =	simm.s32 $0x0;
	s18 =	sshll.u32 s4, $0x1;
	s4 =	sadd.s32 s19, s2  }
0xa0: {  	[timem:s6], [sflag:s20] =	dma.local [hbm:s4], s18  }
0xa1: {  	_ =	swait.ge [sflag:s20], s18  }
0xa2: {  	s3 =	ssub.s32 $0x0, s18;
	[sflag:s20] =	ssyncset.done $0x0  }
0xa3: {  	[sflag:s20] =	ssyncadd.s32 s3;
	_ =	sdelay $0x1  }
0xa4: {  	s21 =	simm.s32 $0x1B8B  }
0xa5: {  	_ =	swait.ge [sflag:s21], $0x1  }
0xa6: {  	[sflag:s21] =	ssyncset.done $0x0  }
0xa7: {  	s23 =	simm.s32 $0x1B8E;
	s22 =	sld [smem:$0x3FFE];
	[sflag:s21] =	ssyncadd.s32 $0xFFFFFFFF  }
0xa8: {  	s24 =	simm.s32 $execute0_lowered;
	[smem:$0x3FD2] =	sst s23  }
0xa9: {  	s4 =	sshll.u32 s24, $0x1;
	_ =	strace $0x80000046;
	[dreg:$0x1] =	wrdreg $0xFFFFFFFF  }
0xaa: {  	s25 =	simm.s32 $_size_execute0_lowered;
	s2 =	sadd.s32 s2, s4;
	[dreg:$0x0] =	wrdreg $0x0  }
0xab: {  	s4 =	sshll.u32 s25, $0x1;
	[dreg:$0x2] =	wrdreg s2  }
0xac: {  	[dreg:$0x3] =	wrdreg s4  }
0xad: {  	[dreg:$0x4] =	wrdreg $0xC0  }
0xae: {  	_ =	task [dreg:s6], $0x5FFFF  }
0xaf: {  	[dreg:$0x1] =	wrdreg $0xFFFFFFFF  }
0xb0: {  	[dreg:$0x0] =	wrdreg $0x60  }
0xb1: {  	[dreg:$0x2] =	wrdreg s15  }
0xb2: {  	[dreg:$0x3] =	wrdreg s22  }
0xb3: {  	[dreg:$0x4] =	wrdreg s14  }
0xb4: {  	[dreg:$0x5] =	wrdreg $0x9  }
0xb5: {  	_ =	task.clear_ibuf [dreg:s6], $0x6FFFF;
	_ =	strace $0x90000046  }
0xb6: {  	s26 =	simm.s32 $0x9;
	_ =	strace $0x80000048  }
0xb7: {  	_ =	swait.ge [sflag:s26], $0x1  }
0xb8: {  	[sflag:s26] =	ssyncadd.s32 $0xFFFFFFFF  }
0xb9: {  	_ =	strace $0x90000048  }
0xba: {  	_ =	sfence  }
0xbb: {  	s28 =	sld [smem:$0x0];
	_ =	sdelay $0x1  }
0xbc: {  	s29 =	srdreg.scid  }
0xbd: {  	s30 =	sshll.u32 s29, $0xD;
	s31 =	sshrl.u32 s29, $0x2  }
0xbe: {  	s1 =	sand.u32 $0x1, s29;
	s2 =	sand.u32 $0x4000, s30;
	s0 =	sadd.s32 s31, s28  }
0xbf: {  	s1 =	sor.u32 s2, s1;
	s0 =	sshll.u32 s0, $0x11  }
0xc0: {  	s0 =	sor.u32 s0, s1  }
0xc1: {  	s0 =	sadd.s32 $0x8F2B, s0  }
0xc2: {  	[sflag:s0] =	ssyncadd.remote.s32 $0x1  }
0xc3: {  	_ =	sfence.sel $0xFFFF  }
0xc4: {  	[dreg:$0x0] =	wrdreg $0xFFFFFFFF;
	(pc) =	sbr.abs _section_cstart, $3  }
0xc5: {  	[dreg:$0x1] =	wrdreg $0xFFFFFFFF  }
0xc6: {  	_ =	task.clear_ibuf [dreg:s6], $0x2FFFF;
	_ =	strace $0x9FFFFFFF  }
0xc7: {  	(tm) =	ssettm $0x7FFFFFFF  }
tec
execute0_lowered:
.L_overlay_start_1:
0x0: {  	(tag) =	ssettag $0x1  }
0x1: {  	s3 =	rddreg [dreg:$0x0]  }
0x2: {  	s4 =	rddreg [dreg:$0x1]  }
0x3: {  	s5 =	rddreg [dreg:$0x2]  }
0x4: {  	s0 =	rddreg [dreg:$0x3];
	s2 =	simm.s32 $0x0;
	s1 =	stileid.u32  }
0x5: {  	[smem:$0x7FF] =	sst s2;
	s6 =	sshll.u32 s1, $0x4  }
0x6: {  	s22 =	simm.s32 $0x2;
	_ =	strace $0x80000047;
	s3 =	sadd.s32 s3, s6  }
0x7: {  	[tilespmem:s2], [sflag:$0x2] =	stream.linear.gather [hbm4b:s3+s2], $0x80, $0x38;
	[tilespmem:$0x300] =	vst v63  }
0x8: {  	_ =	swait.ge [sflag:s22], $0x80  }
0x9: {  	[sflag:s22] =	ssyncset.done $0x0  }
0xa: {  	s8 =	simm.s32 $0x80;
	s7 =	sadd.s32 $0x2E00, s4;
	[sflag:s22] =	ssyncadd.s32 $0xFFFFFF80  }
0xb: {  	[tilespmem:s8], [sflag:$0x1] =	stream.indirect.gather [hbm4b:s7+s8], $0x1, s2, s8, $0xb8;
	[tilespmem:$0x300] =	vst v63  }
0xc: {  	s9 =	simm.s32 $0x100;
	s23 =	sadd.s32 $0x3800, s4  }
0xd: {  	[tilespmem:s9], [sflag:$0x1] =	stream.indirect.gather [hbm4b:s23+s8], $0x1, s2, s8, $0xb8;
	[tilespmem:$0x300] =	vst v63  }
0xe: {  	s10 =	simm.s32 $0x180;
	s24 =	sadd.s32 $0x1A00, s4  }
0xf: {  	[tilespmem:s10], [sflag:$0x1] =	stream.indirect.gather [hbm4b:s24+s8], $0x1, s2, s8, $0xb8;
	[tilespmem:$0x300] =	vst v63  }
0x10: {  	s11 =	simm.s32 $0x200;
	s25 =	sadd.s32 $0x2400, s4  }
0x11: {  	[tilespmem:s11], [sflag:$0x1] =	stream.indirect.gather [hbm4b:s25+s8], $0x1, s2, s8, $0xb8;
	[tilespmem:$0x300] =	vst v63  }
0x12: {  	s12 =	simm.s32 $0x280;
	s28 =	simm.s32 $0x1;
	s26 =	sadd.s32 $0x1000, s4  }
0x13: {  	[tilespmem:s12], [sflag:$0x1] =	stream.indirect.gather [hbm4b:s26+s8], $0x1, s2, s8, $0xb8;
	[tilespmem:$0x300] =	vst v63  }
0x14: {  	_ =	swait.ge [sflag:s28], $0x80  }
0x15: {  	[sflag:s28] =	ssyncset.done $0x0  }
0x16: {  	[sflag:s28] =	ssyncadd.s32 $0xFFFFFF80  }
0x17: {  	_ =	swait.ge [sflag:s28], $0x80  }
0x18: {  	[sflag:s28] =	ssyncset.done $0x0  }
0x19: {  	[sflag:s28] =	ssyncadd.s32 $0xFFFFFF80  }
0x1a: {  	_ =	swait.ge [sflag:s28], $0x80  }
0x1b: {  	[sflag:s28] =	ssyncset.done $0x0  }
0x1c: {  	[sflag:s28] =	ssyncadd.s32 $0xFFFFFF80  }
0x1d: {  	_ =	swait.ge [sflag:s28], $0x80  }
0x1e: {  	[sflag:s28] =	ssyncset.done $0x0  }
0x1f: {  	[sflag:s28] =	ssyncadd.s32 $0xFFFFFF80  }
0x20: {  	_ =	swait.ge [sflag:s28], $0x80  }
0x21: {  	[sflag:s28] =	ssyncset.done $0x0  }
0x22: {  	s5 =	sadd.s32 s5, s6;
	[sflag:s28] =	ssyncadd.s32 $0xFFFFFF80  }
0x23: {  	[hbm4b:s5+s2] =	stream.linear.scatter [tilespmem:s8], [sflag:$0x2], $0x80, $0x38;
	[tilespmem:$0x300] =	vst v63  }
0x24: {  	_ =	swait.ge [sflag:s22], $0x80  }
0x25: {  	s4 =	sadd.s32 s6, s4;
	[sflag:s22] =	ssyncset.done $0x0  }
0x26: {  	s29 =	sadd.s32 $0x4600, s4;
	[sflag:s22] =	ssyncadd.s32 $0xFFFFFF80  }
0x27: {  	[hbm4b:s29+s2] =	stream.linear.scatter [tilespmem:s9], [sflag:$0x2], $0x80, $0x38;
	[tilespmem:$0x300] =	vst v63  }
0x28: {  	_ =	swait.ge [sflag:s22], $0x80  }
0x29: {  	[sflag:s22] =	ssyncset.done $0x0  }
0x2a: {  	s30 =	sadd.s32 $0x4800, s4;
	[sflag:s22] =	ssyncadd.s32 $0xFFFFFF80  }
0x2b: {  	[hbm4b:s30+s2] =	stream.linear.scatter [tilespmem:s10], [sflag:$0x2], $0x80, $0x38;
	[tilespmem:$0x300] =	vst v63  }
0x2c: {  	_ =	swait.ge [sflag:s22], $0x80  }
0x2d: {  	[sflag:s22] =	ssyncset.done $0x0  }
0x2e: {  	s31 =	sadd.s32 $0x4400, s4;
	[sflag:s22] =	ssyncadd.s32 $0xFFFFFF80  }
0x2f: {  	[hbm4b:s31+s2] =	stream.linear.scatter [tilespmem:s11], [sflag:$0x2], $0x80, $0x38;
	[tilespmem:$0x300] =	vst v63  }
0x30: {  	_ =	swait.ge [sflag:s22], $0x80  }
0x31: {  	[sflag:s22] =	ssyncset.done $0x0  }
0x32: {  	s4 =	sadd.s32 $0x4200, s4;
	[sflag:s22] =	ssyncadd.s32 $0xFFFFFF80  }
0x33: {  	[hbm4b:s4+s2] =	stream.linear.scatter [tilespmem:s12], [sflag:$0x2], $0x80, $0x38;
	[tilespmem:$0x300] =	vst v63  }
0x34: {  	_ =	swait.ge [sflag:s22], $0x80  }
0x35: {  	[sflag:s22] =	ssyncset.done $0x0  }
0x36: {  	[sflag:s22] =	ssyncadd.s32 $0xFFFFFF80  }
0x37: {  	_ =	sfence.sel $0x180000  }
0x38: {  	[bflag:$0x0] =	sbarrier.arrive $0xFFFF  }
0x39: {  	p0 =	sne.s32 s1, $0x0;
	_ =	strace $0x90000047  }
0x3a: {  	s0 =	sadd.s32 @!p0 $0x100000, s0;
	[bflag:$0x2] =	sbarrier.arrive $0xFFFF  }
0x3b: {  	[sflag:s0] =	ssyncadd.tile.s32 @!p0 $0x1;
	_ =	shalt  }
.Lfunc_end2:
_tile_overlayer_lowered:
.L_overlay_start_2:
0x3c: {  	(tag) =	ssettag $0x2  }
0x3d: {  	s0 =	rddreg [dreg:$0x0];
	s2 =	stileid.u32  }
0x3e: {  	s1 =	rddreg [dreg:$0x1];
	p0 =	sne.s32 s2, $0x0  }
0x3f: {  	s3 =	rddreg [dreg:$0x2];
	[bflag:$0x3] =	sbarrier.arrive $0xFFFF;
	s2 =	simm.s32 @!p0 $0x1C02  }
0x40: {  	[timem:s3], [sflag:s2] =	dma.local @!p0 [hbm:s0], s1  }
0x41: {  	s0 =	simm.s32 @!p0 $0x2  }
0x42: {  	_ =	swait.ge @!p0 [sflag:s0], s1  }
0x43: {  	s1 =	ssub.s32 @!p0 $0x0, s1;
	[sflag:s0] =	ssyncset.done @!p0 $0x0  }
0x44: {  	[sflag:s0] =	ssyncadd.s32 @!p0 s1  }
0x45: {  	[bflag:$0x3] =	sbarrier.arrive $0xFFFF  }
0x46: {  	_ =	shalt  }

</sc_bundles>
